<compile_context>
chip_gen: v7x
topology: tpu7x:2x2x1
jax: 0.10.2.dev20260603
libtpu: 0.0.44.dev20260713+nightly
codegen_flags: <defaults>
</compile_context>

<pallas_src>
import functools

import jax
import jax.numpy as jnp
from jax import lax
from jax.experimental import pallas as pl
from jax.experimental.pallas import tpu as pltpu
from jax.experimental.pallas import tpu_sc as plsc

_BATCH = 16384
_NUM_TOKENS = 32
_CODEBOOK_SIZE = 64
_HIDDEN = 128


@functools.lru_cache(maxsize=None)
def _build_sc_counts():
    info = plsc.get_sparse_core_info()
    nc, ns, lanes = info.num_cores, info.num_subcores, info.num_lanes
    nw = nc * ns
    rpw = _BATCH // nw

    mesh = plsc.VectorSubcoreMesh(core_axis_name="c", subcore_axis_name="s")

    @functools.partial(
        pl.kernel,
        out_type=jax.ShapeDtypeStruct((_BATCH, _CODEBOOK_SIZE), jnp.float32),
        mesh=mesh,
        scratch_types=[
            pltpu.VMEM((rpw, _NUM_TOKENS), jnp.int32),
            pltpu.VMEM((rpw, _CODEBOOK_SIZE), jnp.float32),
            pltpu.SemaphoreType.DMA,
            pltpu.SemaphoreType.DMA,
        ],
        compiler_params=pltpu.CompilerParams(
            needs_layout_passes=False, use_tc_tiling_on_sc=True
        ),
    )
    def sc_counts(idx_hbm, cnt_hbm, idx_v, cnt_v, sem_in, sem_out):
        wid = lax.axis_index("s") * nc + lax.axis_index("c")
        base = wid * rpw
        nparts = 4
        part = rpw // nparts
        pltpu.sync_copy(idx_hbm.at[pl.ds(base, part)], idx_v.at[pl.ds(0, part)])
        ins = [
            pltpu.async_copy(
                idx_hbm.at[pl.ds(base + p * part, part)],
                idx_v.at[pl.ds(p * part, part)],
                sem_in,
            )
            for p in range(1, nparts)
        ]

        zero = jnp.zeros((lanes,), jnp.float32)
        ones = jnp.ones((lanes,), jnp.float32)

        def hist_row(r):
            rows = jnp.full((lanes,), r, jnp.int32)
            for c in range(_CODEBOOK_SIZE // lanes):
                cnt_v[r, pl.ds(c * lanes, lanes)] = zero
            for t0 in range(_NUM_TOKENS // lanes):
                iv = idx_v[r, pl.ds(t0 * lanes, lanes)]
                plsc.addupdate_scatter(cnt_v, [rows, iv], ones)

        outs = []
        for p in range(nparts):
            plsc.parallel_loop(p * part, (p + 1) * part, unroll=4)(hist_row)
            outs.append(
                pltpu.async_copy(
                    cnt_v.at[pl.ds(p * part, part)],
                    cnt_hbm.at[pl.ds(base + p * part, part)],
                    sem_out,
                )
            )
            if p + 1 < nparts:
                ins[p].wait()
        for o in outs:
            o.wait()

    return sc_counts


def _mm_body(cnt_ref, cb_ref, out_ref):
    out_ref[...] = lax.dot_general(
        cnt_ref[...],
        cb_ref[...],
        (((1,), (0,)), ((), ())),
        preferred_element_type=jnp.float32,
        precision=lax.Precision.DEFAULT,
    )


def kernel(indices, codebook):
    counts = _build_sc_counts()(indices)
    bm = 8192
    out = pl.pallas_call(
        _mm_body,
        grid=(_BATCH // bm,),
        in_specs=[
            pl.BlockSpec((bm, _CODEBOOK_SIZE), lambda i: (i, 0)),
            pl.BlockSpec((_CODEBOOK_SIZE, _HIDDEN), lambda i: (0, 0)),
        ],
        out_specs=pl.BlockSpec((bm, _HIDDEN), lambda i: (i, 0)),
        out_shape=jax.ShapeDtypeStruct((_BATCH, _HIDDEN), jnp.float32),
    )(counts, codebook)
    return out

# --- scband reference (transcript-rebuilt; emitter-appended) ---
"""Pipeline reference for scband-style-embedder-17540646436894 (READ-ONLY COPY).

The authoritative reference and input builder live on the scoring server;
editing this copy changes nothing except your own understanding.
"""

import jax, jax.numpy as jnp
import numpy as np

BATCH = 16384
NUM_TOKENS = 32
CODEBOOK_SIZE = 64
HIDDEN = 128

def setup_inputs(seed: int = 0) -> dict:
    key = jax.random.key(seed)
    k1, k2 = jax.random.split(key)
    # The torch module draws random indices inside forward; we materialize them
    # here so the reference is deterministic.
    indices = jax.random.randint(k1, (BATCH, NUM_TOKENS), 0, CODEBOOK_SIZE, dtype=jnp.int32)
    codebook = jax.random.normal(k2, (CODEBOOK_SIZE, HIDDEN), dtype=jnp.float32) * 0.02
    return {"indices": indices, "codebook": codebook}

def reference(indices, codebook):
    # embeddings = self.codebook(indices) -> gather rows
    embeddings = jnp.take(codebook, indices, axis=0)  # [B, num_tokens, hidden]
    # style = embeddings.sum(dim=1)
    style = embeddings.sum(axis=1)  # [B, hidden]
    return style

if __name__ == "__main__":
    import jax
    _d = setup_inputs()
    print(jax.jit(kernel)(*tuple(_d.values())))

</pallas_src>

<mosaic_0001>
#map = affine_map<(d0, d1) -> (0, 0)>
module attributes {stable_mosaic.version = 14 : i64} {
  func.func @sc_counts(%arg0: i32, %arg1: i32, %arg2: memref<16384x32xi32, #tpu.memory_space<hbm>>, %arg3: memref<16384x64xf32, #tpu.memory_space<hbm>>, %arg4: memref<512x32xi32, #tpu.memory_space<vmem>>, %arg5: memref<512x64xf32, #tpu.memory_space<vmem>>, %arg6: memref<!tpu.dma_semaphore, #tpu.memory_space<semaphore_mem>>, %arg7: memref<!tpu.dma_semaphore, #tpu.memory_space<semaphore_mem>>) attributes {dimension_semantics = [#tpu.dimension_semantics<core_parallel>, #tpu.dimension_semantics<subcore_parallel>], iteration_bounds = array<i64: 2, 16>, scalar_prefetch = 0 : i64, scratch_operands = 4 : i64, tpu.core_type = #tpu.core_type<sc_vector_subcore>, window_params = [{transform_indices = #map}, {transform_indices = #map}]} {
    %mul3A = arith.constant 2 : i32
    %mul3A_0 = arith.muli %arg1, %mul3A : i32
    %add3A = arith.addi %mul3A_0, %arg0 : i32
    %mul3A_1 = arith.constant 512 : i32
    %mul3A_2 = arith.muli %add3A, %mul3A_1 : i32
    "tpu.region"() ({
      %run_scoped3A = tpu.sem_alloc : memref<!tpu.dma_semaphore, #tpu.memory_space<semaphore_mem>>
      %dma_start3A_169 = arith.constant 0 : i32
      %dma_start3A_170 = arith.constant 0 : i32
      %dma_start3A_171 = tpu.memref_slice %arg4[%dma_start3A_169, %dma_start3A_170] : memref<512x32xi32, #tpu.memory_space<vmem>> -> memref<128x32xi32, #tpu.memory_space<vmem>>
      %dma_start3A_172 = arith.constant 0 : i32
      %dma_start3A_173 = tpu.memref_slice %arg2[%mul3A_2, %dma_start3A_172] : memref<16384x32xi32, #tpu.memory_space<hbm>> -> memref<128x32xi32, #tpu.memory_space<hbm>>
      %dma_start3A_174 = arith.constant 0 : i32
      %dma_start3A_175 = arith.constant 0 : i32
      %dma_start3A_176 = tpu.memref_slice %arg4[%dma_start3A_174, %dma_start3A_175] : memref<512x32xi32, #tpu.memory_space<vmem>> -> memref<128x32xi32, #tpu.memory_space<vmem>>
      %dma_start3A_177 = arith.constant 0 : i32
      %dma_start3A_178 = tpu.memref_slice %arg2[%mul3A_2, %dma_start3A_177] : memref<16384x32xi32, #tpu.memory_space<hbm>> -> memref<128x32xi32, #tpu.memory_space<hbm>>
      tpu.enqueue_dma source(%dma_start3A_178 : memref<128x32xi32, #tpu.memory_space<hbm>>) target(%dma_start3A_176 : memref<128x32xi32, #tpu.memory_space<vmem>>) target_semaphore(%run_scoped3A : memref<!tpu.dma_semaphore, #tpu.memory_space<semaphore_mem>>)
      %dma_wait3A_179 = arith.constant 0 : i32
      %dma_wait3A_180 = arith.constant 0 : i32
      %dma_wait3A_181 = tpu.memref_slice %arg4[%dma_wait3A_179, %dma_wait3A_180] : memref<512x32xi32, #tpu.memory_space<vmem>> -> memref<128x32xi32, #tpu.memory_space<vmem>>
      %dma_wait3A_182 = arith.constant 0 : i32
      %dma_wait3A_183 = tpu.memref_slice %arg2[%mul3A_2, %dma_wait3A_182] : memref<16384x32xi32, #tpu.memory_space<hbm>> -> memref<128x32xi32, #tpu.memory_space<hbm>>
      %dma_wait3A_184 = arith.constant 0 : i32
      %dma_wait3A_185 = arith.constant 0 : i32
      %dma_wait3A_186 = tpu.memref_slice %arg4[%dma_wait3A_184, %dma_wait3A_185] : memref<512x32xi32, #tpu.memory_space<vmem>> -> memref<128x32xi32, #tpu.memory_space<vmem>>
      %dma_wait3A_187 = arith.constant 0 : i32
      %dma_wait3A_188 = tpu.memref_slice %arg2[%mul3A_2, %dma_wait3A_187] : memref<16384x32xi32, #tpu.memory_space<hbm>> -> memref<128x32xi32, #tpu.memory_space<hbm>>
      tpu.wait_dma2 semaphore(%run_scoped3A : memref<!tpu.dma_semaphore, #tpu.memory_space<semaphore_mem>>) src(%dma_wait3A_188 : memref<128x32xi32, #tpu.memory_space<hbm>>) dst(%dma_wait3A_186 : memref<128x32xi32, #tpu.memory_space<vmem>>)
      tpu.yield
    }) : () -> ()
    %add3A_3 = arith.constant 128 : i32
    %add3A_4 = arith.addi %mul3A_2, %add3A_3 : i32
    %dma_start3A = arith.constant 128 : i32
    %dma_start3A_5 = arith.constant 0 : i32
    %dma_start3A_6 = tpu.memref_slice %arg4[%dma_start3A, %dma_start3A_5] : memref<512x32xi32, #tpu.memory_space<vmem>> -> memref<128x32xi32, #tpu.memory_space<vmem>>
    %dma_start3A_7 = arith.constant 0 : i32
    %dma_start3A_8 = tpu.memref_slice %arg2[%add3A_4, %dma_start3A_7] : memref<16384x32xi32, #tpu.memory_space<hbm>> -> memref<128x32xi32, #tpu.memory_space<hbm>>
    %dma_start3A_9 = arith.constant 128 : i32
    %dma_start3A_10 = arith.constant 0 : i32
    %dma_start3A_11 = tpu.memref_slice %arg4[%dma_start3A_9, %dma_start3A_10] : memref<512x32xi32, #tpu.memory_space<vmem>> -> memref<128x32xi32, #tpu.memory_space<vmem>>
    %dma_start3A_12 = arith.constant 0 : i32
    %dma_start3A_13 = tpu.memref_slice %arg2[%add3A_4, %dma_start3A_12] : memref<16384x32xi32, #tpu.memory_space<hbm>> -> memref<128x32xi32, #tpu.memory_space<hbm>>
    tpu.enqueue_dma source(%dma_start3A_13 : memref<128x32xi32, #tpu.memory_space<hbm>>) target(%dma_start3A_11 : memref<128x32xi32, #tpu.memory_space<vmem>>) target_semaphore(%arg6 : memref<!tpu.dma_semaphore, #tpu.memory_space<semaphore_mem>>)
    %add3A_14 = arith.constant 256 : i32
    %add3A_15 = arith.addi %mul3A_2, %add3A_14 : i32
    %dma_start3A_16 = arith.constant 256 : i32
    %dma_start3A_17 = arith.constant 0 : i32
    %dma_start3A_18 = tpu.memref_slice %arg4[%dma_start3A_16, %dma_start3A_17] : memref<512x32xi32, #tpu.memory_space<vmem>> -> memref<128x32xi32, #tpu.memory_space<vmem>>
    %dma_start3A_19 = arith.constant 0 : i32
    %dma_start3A_20 = tpu.memref_slice %arg2[%add3A_15, %dma_start3A_19] : memref<16384x32xi32, #tpu.memory_space<hbm>> -> memref<128x32xi32, #tpu.memory_space<hbm>>
    %dma_start3A_21 = arith.constant 256 : i32
    %dma_start3A_22 = arith.constant 0 : i32
    %dma_start3A_23 = tpu.memref_slice %arg4[%dma_start3A_21, %dma_start3A_22] : memref<512x32xi32, #tpu.memory_space<vmem>> -> memref<128x32xi32, #tpu.memory_space<vmem>>
    %dma_start3A_24 = arith.constant 0 : i32
    %dma_start3A_25 = tpu.memref_slice %arg2[%add3A_15, %dma_start3A_24] : memref<16384x32xi32, #tpu.memory_space<hbm>> -> memref<128x32xi32, #tpu.memory_space<hbm>>
    tpu.enqueue_dma source(%dma_start3A_25 : memref<128x32xi32, #tpu.memory_space<hbm>>) target(%dma_start3A_23 : memref<128x32xi32, #tpu.memory_space<vmem>>) target_semaphore(%arg6 : memref<!tpu.dma_semaphore, #tpu.memory_space<semaphore_mem>>)
    %add3A_26 = arith.constant 384 : i32
    %add3A_27 = arith.addi %mul3A_2, %add3A_26 : i32
    %dma_start3A_28 = arith.constant 384 : i32
    %dma_start3A_29 = arith.constant 0 : i32
    %dma_start3A_30 = tpu.memref_slice %arg4[%dma_start3A_28, %dma_start3A_29] : memref<512x32xi32, #tpu.memory_space<vmem>> -> memref<128x32xi32, #tpu.memory_space<vmem>>
    %dma_start3A_31 = arith.constant 0 : i32
    %dma_start3A_32 = tpu.memref_slice %arg2[%add3A_27, %dma_start3A_31] : memref<16384x32xi32, #tpu.memory_space<hbm>> -> memref<128x32xi32, #tpu.memory_space<hbm>>
    %dma_start3A_33 = arith.constant 384 : i32
    %dma_start3A_34 = arith.constant 0 : i32
    %dma_start3A_35 = tpu.memref_slice %arg4[%dma_start3A_33, %dma_start3A_34] : memref<512x32xi32, #tpu.memory_space<vmem>> -> memref<128x32xi32, #tpu.memory_space<vmem>>
    %dma_start3A_36 = arith.constant 0 : i32
    %dma_start3A_37 = tpu.memref_slice %arg2[%add3A_27, %dma_start3A_36] : memref<16384x32xi32, #tpu.memory_space<hbm>> -> memref<128x32xi32, #tpu.memory_space<hbm>>
    tpu.enqueue_dma source(%dma_start3A_37 : memref<128x32xi32, #tpu.memory_space<hbm>>) target(%dma_start3A_35 : memref<128x32xi32, #tpu.memory_space<vmem>>) target_semaphore(%arg6 : memref<!tpu.dma_semaphore, #tpu.memory_space<semaphore_mem>>)
    %broadcast_in_dim3A = arith.constant 0.000000e+00 : f32
    %broadcast_in_dim3A_38 = vector.broadcast %broadcast_in_dim3A : f32 to vector<16xf32>
    %broadcast_in_dim3A_39 = arith.constant 1.000000e+00 : f32
    %broadcast_in_dim3A_40 = vector.broadcast %broadcast_in_dim3A_39 : f32 to vector<16xf32>
    %parallel_loop3A = arith.constant 0 : i32
    %parallel_loop3A_41 = arith.constant 128 : i32
    %parallel_loop3A_42 = arith.constant 1 : i32
    scf.for %parallel_loop3A_169 = %parallel_loop3A to %parallel_loop3A_41 step %parallel_loop3A_42  : i32 {
      %parallel_loop3A_170 = vector.broadcast %parallel_loop3A_169 : i32 to vector<16xi32>
      %parallel_loop3A_171 = arith.index_cast %parallel_loop3A_169 : i32 to index
      %parallel_loop3A_172 = arith.constant 0 : index
      %parallel_loop3A_173 = tpu.vector_load %arg5[%parallel_loop3A_171, %parallel_loop3A_172] {strides = array<i32>} : memref<512x64xf32, #tpu.memory_space<vmem>>, vector<16xf32>,
      tpu.vector_store %arg5[%parallel_loop3A_171, %parallel_loop3A_172], %broadcast_in_dim3A_38 {strides = array<i32>} : memref<512x64xf32, #tpu.memory_space<vmem>>, vector<16xf32>,
      %parallel_loop3A_174 = arith.index_cast %parallel_loop3A_169 : i32 to index
      %parallel_loop3A_175 = arith.constant 16 : index
      %parallel_loop3A_176 = tpu.vector_load %arg5[%parallel_loop3A_174, %parallel_loop3A_175] {strides = array<i32>} : memref<512x64xf32, #tpu.memory_space<vmem>>, vector<16xf32>,
      tpu.vector_store %arg5[%parallel_loop3A_174, %parallel_loop3A_175], %broadcast_in_dim3A_38 {strides = array<i32>} : memref<512x64xf32, #tpu.memory_space<vmem>>, vector<16xf32>,
      %parallel_loop3A_177 = arith.index_cast %parallel_loop3A_169 : i32 to index
      %parallel_loop3A_178 = arith.constant 32 : index
      %parallel_loop3A_179 = tpu.vector_load %arg5[%parallel_loop3A_177, %parallel_loop3A_178] {strides = array<i32>} : memref<512x64xf32, #tpu.memory_space<vmem>>, vector<16xf32>,
      tpu.vector_store %arg5[%parallel_loop3A_177, %parallel_loop3A_178], %broadcast_in_dim3A_38 {strides = array<i32>} : memref<512x64xf32, #tpu.memory_space<vmem>>, vector<16xf32>,
      %parallel_loop3A_180 = arith.index_cast %parallel_loop3A_169 : i32 to index
      %parallel_loop3A_181 = arith.constant 48 : index
      %parallel_loop3A_182 = tpu.vector_load %arg5[%parallel_loop3A_180, %parallel_loop3A_181] {strides = array<i32>} : memref<512x64xf32, #tpu.memory_space<vmem>>, vector<16xf32>,
      tpu.vector_store %arg5[%parallel_loop3A_180, %parallel_loop3A_181], %broadcast_in_dim3A_38 {strides = array<i32>} : memref<512x64xf32, #tpu.memory_space<vmem>>, vector<16xf32>,
      %parallel_loop3A_183 = arith.index_cast %parallel_loop3A_169 : i32 to index
      %parallel_loop3A_184 = arith.constant 0 : index
      %parallel_loop3A_185 = tpu.vector_load %arg4[%parallel_loop3A_183, %parallel_loop3A_184] {strides = array<i32>} : memref<512x32xi32, #tpu.memory_space<vmem>>, vector<16xi32>,
      tpu.vector_store_idx %arg5[%parallel_loop3A_170, %parallel_loop3A_185], %broadcast_in_dim3A_40 {add = true} : memref<512x64xf32, #tpu.memory_space<vmem>>[vector<16xi32>, vector<16xi32>], vector<16xf32>,
      %parallel_loop3A_186 = arith.index_cast %parallel_loop3A_169 : i32 to index
      %parallel_loop3A_187 = arith.constant 16 : index
      %parallel_loop3A_188 = tpu.vector_load %arg4[%parallel_loop3A_186, %parallel_loop3A_187] {strides = array<i32>} : memref<512x32xi32, #tpu.memory_space<vmem>>, vector<16xi32>,
      tpu.vector_store_idx %arg5[%parallel_loop3A_170, %parallel_loop3A_188], %broadcast_in_dim3A_40 {add = true} : memref<512x64xf32, #tpu.memory_space<vmem>>[vector<16xi32>, vector<16xi32>], vector<16xf32>,
    } {sc.loop_unroll_factor = 4 : i64, sc.parallel_access}
    %add3A_43 = arith.constant 0 : i32
    %add3A_44 = arith.addi %mul3A_2, %add3A_43 : i32
    %dma_start3A_45 = arith.constant 0 : i32
    %dma_start3A_46 = arith.constant 0 : i32
    %dma_start3A_47 = tpu.memref_slice %arg5[%dma_start3A_45, %dma_start3A_46] : memref<512x64xf32, #tpu.memory_space<vmem>> -> memref<128x64xf32, #tpu.memory_space<vmem>>
    %dma_start3A_48 = arith.constant 0 : i32
    %dma_start3A_49 = tpu.memref_slice %arg3[%add3A_44, %dma_start3A_48] : memref<16384x64xf32, #tpu.memory_space<hbm>> -> memref<128x64xf32, #tpu.memory_space<hbm>>
    %dma_start3A_50 = arith.constant 0 : i32
    %dma_start3A_51 = tpu.memref_slice %arg3[%add3A_44, %dma_start3A_50] : memref<16384x64xf32, #tpu.memory_space<hbm>> -> memref<128x64xf32, #tpu.memory_space<hbm>>
    %dma_start3A_52 = arith.constant 0 : i32
    %dma_start3A_53 = arith.constant 0 : i32
    %dma_start3A_54 = tpu.memref_slice %arg5[%dma_start3A_52, %dma_start3A_53] : memref<512x64xf32, #tpu.memory_space<vmem>> -> memref<128x64xf32, #tpu.memory_space<vmem>>
    tpu.enqueue_dma source(%dma_start3A_54 : memref<128x64xf32, #tpu.memory_space<vmem>>) target(%dma_start3A_51 : memref<128x64xf32, #tpu.memory_space<hbm>>) target_semaphore(%arg7 : memref<!tpu.dma_semaphore, #tpu.memory_space<semaphore_mem>>)
    %dma_wait3A = arith.constant 128 : i32
    %dma_wait3A_55 = arith.constant 0 : i32
    %dma_wait3A_56 = tpu.memref_slice %arg4[%dma_wait3A, %dma_wait3A_55] : memref<512x32xi32, #tpu.memory_space<vmem>> -> memref<128x32xi32, #tpu.memory_space<vmem>>
    %dma_wait3A_57 = arith.constant 0 : i32
    %dma_wait3A_58 = tpu.memref_slice %arg2[%add3A_4, %dma_wait3A_57] : memref<16384x32xi32, #tpu.memory_space<hbm>> -> memref<128x32xi32, #tpu.memory_space<hbm>>
    %dma_wait3A_59 = arith.constant 128 : i32
    %dma_wait3A_60 = arith.constant 0 : i32
    %dma_wait3A_61 = tpu.memref_slice %arg4[%dma_wait3A_59, %dma_wait3A_60] : memref<512x32xi32, #tpu.memory_space<vmem>> -> memref<128x32xi32, #tpu.memory_space<vmem>>
    %dma_wait3A_62 = arith.constant 0 : i32
    %dma_wait3A_63 = tpu.memref_slice %arg2[%add3A_4, %dma_wait3A_62] : memref<16384x32xi32, #tpu.memory_space<hbm>> -> memref<128x32xi32, #tpu.memory_space<hbm>>
    tpu.wait_dma2 semaphore(%arg6 : memref<!tpu.dma_semaphore, #tpu.memory_space<semaphore_mem>>) src(%dma_wait3A_63 : memref<128x32xi32, #tpu.memory_space<hbm>>) dst(%dma_wait3A_61 : memref<128x32xi32, #tpu.memory_space<vmem>>)
    %parallel_loop3A_64 = arith.constant 128 : i32
    %parallel_loop3A_65 = arith.constant 256 : i32
    %parallel_loop3A_66 = arith.constant 1 : i32
    scf.for %parallel_loop3A_169 = %parallel_loop3A_64 to %parallel_loop3A_65 step %parallel_loop3A_66  : i32 {
      %parallel_loop3A_170 = vector.broadcast %parallel_loop3A_169 : i32 to vector<16xi32>
      %parallel_loop3A_171 = arith.index_cast %parallel_loop3A_169 : i32 to index
      %parallel_loop3A_172 = arith.constant 0 : index
      %parallel_loop3A_173 = tpu.vector_load %arg5[%parallel_loop3A_171, %parallel_loop3A_172] {strides = array<i32>} : memref<512x64xf32, #tpu.memory_space<vmem>>, vector<16xf32>,
      tpu.vector_store %arg5[%parallel_loop3A_171, %parallel_loop3A_172], %broadcast_in_dim3A_38 {strides = array<i32>} : memref<512x64xf32, #tpu.memory_space<vmem>>, vector<16xf32>,
      %parallel_loop3A_174 = arith.index_cast %parallel_loop3A_169 : i32 to index
      %parallel_loop3A_175 = arith.constant 16 : index
      %parallel_loop3A_176 = tpu.vector_load %arg5[%parallel_loop3A_174, %parallel_loop3A_175] {strides = array<i32>} : memref<512x64xf32, #tpu.memory_space<vmem>>, vector<16xf32>,
      tpu.vector_store %arg5[%parallel_loop3A_174, %parallel_loop3A_175], %broadcast_in_dim3A_38 {strides = array<i32>} : memref<512x64xf32, #tpu.memory_space<vmem>>, vector<16xf32>,
      %parallel_loop3A_177 = arith.index_cast %parallel_loop3A_169 : i32 to index
      %parallel_loop3A_178 = arith.constant 32 : index
      %parallel_loop3A_179 = tpu.vector_load %arg5[%parallel_loop3A_177, %parallel_loop3A_178] {strides = array<i32>} : memref<512x64xf32, #tpu.memory_space<vmem>>, vector<16xf32>,
      tpu.vector_store %arg5[%parallel_loop3A_177, %parallel_loop3A_178], %broadcast_in_dim3A_38 {strides = array<i32>} : memref<512x64xf32, #tpu.memory_space<vmem>>, vector<16xf32>,
      %parallel_loop3A_180 = arith.index_cast %parallel_loop3A_169 : i32 to index
      %parallel_loop3A_181 = arith.constant 48 : index
      %parallel_loop3A_182 = tpu.vector_load %arg5[%parallel_loop3A_180, %parallel_loop3A_181] {strides = array<i32>} : memref<512x64xf32, #tpu.memory_space<vmem>>, vector<16xf32>,
      tpu.vector_store %arg5[%parallel_loop3A_180, %parallel_loop3A_181], %broadcast_in_dim3A_38 {strides = array<i32>} : memref<512x64xf32, #tpu.memory_space<vmem>>, vector<16xf32>,
      %parallel_loop3A_183 = arith.index_cast %parallel_loop3A_169 : i32 to index
      %parallel_loop3A_184 = arith.constant 0 : index
      %parallel_loop3A_185 = tpu.vector_load %arg4[%parallel_loop3A_183, %parallel_loop3A_184] {strides = array<i32>} : memref<512x32xi32, #tpu.memory_space<vmem>>, vector<16xi32>,
      tpu.vector_store_idx %arg5[%parallel_loop3A_170, %parallel_loop3A_185], %broadcast_in_dim3A_40 {add = true} : memref<512x64xf32, #tpu.memory_space<vmem>>[vector<16xi32>, vector<16xi32>], vector<16xf32>,
      %parallel_loop3A_186 = arith.index_cast %parallel_loop3A_169 : i32 to index
      %parallel_loop3A_187 = arith.constant 16 : index
      %parallel_loop3A_188 = tpu.vector_load %arg4[%parallel_loop3A_186, %parallel_loop3A_187] {strides = array<i32>} : memref<512x32xi32, #tpu.memory_space<vmem>>, vector<16xi32>,
      tpu.vector_store_idx %arg5[%parallel_loop3A_170, %parallel_loop3A_188], %broadcast_in_dim3A_40 {add = true} : memref<512x64xf32, #tpu.memory_space<vmem>>[vector<16xi32>, vector<16xi32>], vector<16xf32>,
    } {sc.loop_unroll_factor = 4 : i64, sc.parallel_access}
    %add3A_67 = arith.constant 128 : i32
    %add3A_68 = arith.addi %mul3A_2, %add3A_67 : i32
    %dma_start3A_69 = arith.constant 128 : i32
    %dma_start3A_70 = arith.constant 0 : i32
    %dma_start3A_71 = tpu.memref_slice %arg5[%dma_start3A_69, %dma_start3A_70] : memref<512x64xf32, #tpu.memory_space<vmem>> -> memref<128x64xf32, #tpu.memory_space<vmem>>
    %dma_start3A_72 = arith.constant 0 : i32
    %dma_start3A_73 = tpu.memref_slice %arg3[%add3A_68, %dma_start3A_72] : memref<16384x64xf32, #tpu.memory_space<hbm>> -> memref<128x64xf32, #tpu.memory_space<hbm>>
    %dma_start3A_74 = arith.constant 0 : i32
    %dma_start3A_75 = tpu.memref_slice %arg3[%add3A_68, %dma_start3A_74] : memref<16384x64xf32, #tpu.memory_space<hbm>> -> memref<128x64xf32, #tpu.memory_space<hbm>>
    %dma_start3A_76 = arith.constant 128 : i32
    %dma_start3A_77 = arith.constant 0 : i32
    %dma_start3A_78 = tpu.memref_slice %arg5[%dma_start3A_76, %dma_start3A_77] : memref<512x64xf32, #tpu.memory_space<vmem>> -> memref<128x64xf32, #tpu.memory_space<vmem>>
    tpu.enqueue_dma source(%dma_start3A_78 : memref<128x64xf32, #tpu.memory_space<vmem>>) target(%dma_start3A_75 : memref<128x64xf32, #tpu.memory_space<hbm>>) target_semaphore(%arg7 : memref<!tpu.dma_semaphore, #tpu.memory_space<semaphore_mem>>)
    %dma_wait3A_79 = arith.constant 256 : i32
    %dma_wait3A_80 = arith.constant 0 : i32
    %dma_wait3A_81 = tpu.memref_slice %arg4[%dma_wait3A_79, %dma_wait3A_80] : memref<512x32xi32, #tpu.memory_space<vmem>> -> memref<128x32xi32, #tpu.memory_space<vmem>>
    %dma_wait3A_82 = arith.constant 0 : i32
    %dma_wait3A_83 = tpu.memref_slice %arg2[%add3A_15, %dma_wait3A_82] : memref<16384x32xi32, #tpu.memory_space<hbm>> -> memref<128x32xi32, #tpu.memory_space<hbm>>
    %dma_wait3A_84 = arith.constant 256 : i32
    %dma_wait3A_85 = arith.constant 0 : i32
    %dma_wait3A_86 = tpu.memref_slice %arg4[%dma_wait3A_84, %dma_wait3A_85] : memref<512x32xi32, #tpu.memory_space<vmem>> -> memref<128x32xi32, #tpu.memory_space<vmem>>
    %dma_wait3A_87 = arith.constant 0 : i32
    %dma_wait3A_88 = tpu.memref_slice %arg2[%add3A_15, %dma_wait3A_87] : memref<16384x32xi32, #tpu.memory_space<hbm>> -> memref<128x32xi32, #tpu.memory_space<hbm>>
    tpu.wait_dma2 semaphore(%arg6 : memref<!tpu.dma_semaphore, #tpu.memory_space<semaphore_mem>>) src(%dma_wait3A_88 : memref<128x32xi32, #tpu.memory_space<hbm>>) dst(%dma_wait3A_86 : memref<128x32xi32, #tpu.memory_space<vmem>>)
    %parallel_loop3A_89 = arith.constant 256 : i32
    %parallel_loop3A_90 = arith.constant 384 : i32
    %parallel_loop3A_91 = arith.constant 1 : i32
    scf.for %parallel_loop3A_169 = %parallel_loop3A_89 to %parallel_loop3A_90 step %parallel_loop3A_91  : i32 {
      %parallel_loop3A_170 = vector.broadcast %parallel_loop3A_169 : i32 to vector<16xi32>
      %parallel_loop3A_171 = arith.index_cast %parallel_loop3A_169 : i32 to index
      %parallel_loop3A_172 = arith.constant 0 : index
      %parallel_loop3A_173 = tpu.vector_load %arg5[%parallel_loop3A_171, %parallel_loop3A_172] {strides = array<i32>} : memref<512x64xf32, #tpu.memory_space<vmem>>, vector<16xf32>,
      tpu.vector_store %arg5[%parallel_loop3A_171, %parallel_loop3A_172], %broadcast_in_dim3A_38 {strides = array<i32>} : memref<512x64xf32, #tpu.memory_space<vmem>>, vector<16xf32>,
      %parallel_loop3A_174 = arith.index_cast %parallel_loop3A_169 : i32 to index
      %parallel_loop3A_175 = arith.constant 16 : index
      %parallel_loop3A_176 = tpu.vector_load %arg5[%parallel_loop3A_174, %parallel_loop3A_175] {strides = array<i32>} : memref<512x64xf32, #tpu.memory_space<vmem>>, vector<16xf32>,
      tpu.vector_store %arg5[%parallel_loop3A_174, %parallel_loop3A_175], %broadcast_in_dim3A_38 {strides = array<i32>} : memref<512x64xf32, #tpu.memory_space<vmem>>, vector<16xf32>,
      %parallel_loop3A_177 = arith.index_cast %parallel_loop3A_169 : i32 to index
      %parallel_loop3A_178 = arith.constant 32 : index
      %parallel_loop3A_179 = tpu.vector_load %arg5[%parallel_loop3A_177, %parallel_loop3A_178] {strides = array<i32>} : memref<512x64xf32, #tpu.memory_space<vmem>>, vector<16xf32>,
      tpu.vector_store %arg5[%parallel_loop3A_177, %parallel_loop3A_178], %broadcast_in_dim3A_38 {strides = array<i32>} : memref<512x64xf32, #tpu.memory_space<vmem>>, vector<16xf32>,
      %parallel_loop3A_180 = arith.index_cast %parallel_loop3A_169 : i32 to index
      %parallel_loop3A_181 = arith.constant 48 : index
      %parallel_loop3A_182 = tpu.vector_load %arg5[%parallel_loop3A_180, %parallel_loop3A_181] {strides = array<i32>} : memref<512x64xf32, #tpu.memory_space<vmem>>, vector<16xf32>,
      tpu.vector_store %arg5[%parallel_loop3A_180, %parallel_loop3A_181], %broadcast_in_dim3A_38 {strides = array<i32>} : memref<512x64xf32, #tpu.memory_space<vmem>>, vector<16xf32>,
      %parallel_loop3A_183 = arith.index_cast %parallel_loop3A_169 : i32 to index
      %parallel_loop3A_184 = arith.constant 0 : index
      %parallel_loop3A_185 = tpu.vector_load %arg4[%parallel_loop3A_183, %parallel_loop3A_184] {strides = array<i32>} : memref<512x32xi32, #tpu.memory_space<vmem>>, vector<16xi32>,
      tpu.vector_store_idx %arg5[%parallel_loop3A_170, %parallel_loop3A_185], %broadcast_in_dim3A_40 {add = true} : memref<512x64xf32, #tpu.memory_space<vmem>>[vector<16xi32>, vector<16xi32>], vector<16xf32>,
      %parallel_loop3A_186 = arith.index_cast %parallel_loop3A_169 : i32 to index
      %parallel_loop3A_187 = arith.constant 16 : index
      %parallel_loop3A_188 = tpu.vector_load %arg4[%parallel_loop3A_186, %parallel_loop3A_187] {strides = array<i32>} : memref<512x32xi32, #tpu.memory_space<vmem>>, vector<16xi32>,
      tpu.vector_store_idx %arg5[%parallel_loop3A_170, %parallel_loop3A_188], %broadcast_in_dim3A_40 {add = true} : memref<512x64xf32, #tpu.memory_space<vmem>>[vector<16xi32>, vector<16xi32>], vector<16xf32>,
    } {sc.loop_unroll_factor = 4 : i64, sc.parallel_access}
    %add3A_92 = arith.constant 256 : i32
    %add3A_93 = arith.addi %mul3A_2, %add3A_92 : i32
    %dma_start3A_94 = arith.constant 256 : i32
    %dma_start3A_95 = arith.constant 0 : i32
    %dma_start3A_96 = tpu.memref_slice %arg5[%dma_start3A_94, %dma_start3A_95] : memref<512x64xf32, #tpu.memory_space<vmem>> -> memref<128x64xf32, #tpu.memory_space<vmem>>
    %dma_start3A_97 = arith.constant 0 : i32
    %dma_start3A_98 = tpu.memref_slice %arg3[%add3A_93, %dma_start3A_97] : memref<16384x64xf32, #tpu.memory_space<hbm>> -> memref<128x64xf32, #tpu.memory_space<hbm>>
    %dma_start3A_99 = arith.constant 0 : i32
    %dma_start3A_100 = tpu.memref_slice %arg3[%add3A_93, %dma_start3A_99] : memref<16384x64xf32, #tpu.memory_space<hbm>> -> memref<128x64xf32, #tpu.memory_space<hbm>>
    %dma_start3A_101 = arith.constant 256 : i32
    %dma_start3A_102 = arith.constant 0 : i32
    %dma_start3A_103 = tpu.memref_slice %arg5[%dma_start3A_101, %dma_start3A_102] : memref<512x64xf32, #tpu.memory_space<vmem>> -> memref<128x64xf32, #tpu.memory_space<vmem>>
    tpu.enqueue_dma source(%dma_start3A_103 : memref<128x64xf32, #tpu.memory_space<vmem>>) target(%dma_start3A_100 : memref<128x64xf32, #tpu.memory_space<hbm>>) target_semaphore(%arg7 : memref<!tpu.dma_semaphore, #tpu.memory_space<semaphore_mem>>)
    %dma_wait3A_104 = arith.constant 384 : i32
    %dma_wait3A_105 = arith.constant 0 : i32
    %dma_wait3A_106 = tpu.memref_slice %arg4[%dma_wait3A_104, %dma_wait3A_105] : memref<512x32xi32, #tpu.memory_space<vmem>> -> memref<128x32xi32, #tpu.memory_space<vmem>>
    %dma_wait3A_107 = arith.constant 0 : i32
    %dma_wait3A_108 = tpu.memref_slice %arg2[%add3A_27, %dma_wait3A_107] : memref<16384x32xi32, #tpu.memory_space<hbm>> -> memref<128x32xi32, #tpu.memory_space<hbm>>
    %dma_wait3A_109 = arith.constant 384 : i32
    %dma_wait3A_110 = arith.constant 0 : i32
    %dma_wait3A_111 = tpu.memref_slice %arg4[%dma_wait3A_109, %dma_wait3A_110] : memref<512x32xi32, #tpu.memory_space<vmem>> -> memref<128x32xi32, #tpu.memory_space<vmem>>
    %dma_wait3A_112 = arith.constant 0 : i32
    %dma_wait3A_113 = tpu.memref_slice %arg2[%add3A_27, %dma_wait3A_112] : memref<16384x32xi32, #tpu.memory_space<hbm>> -> memref<128x32xi32, #tpu.memory_space<hbm>>
    tpu.wait_dma2 semaphore(%arg6 : memref<!tpu.dma_semaphore, #tpu.memory_space<semaphore_mem>>) src(%dma_wait3A_113 : memref<128x32xi32, #tpu.memory_space<hbm>>) dst(%dma_wait3A_111 : memref<128x32xi32, #tpu.memory_space<vmem>>)
    %parallel_loop3A_114 = arith.constant 384 : i32
    %parallel_loop3A_115 = arith.constant 512 : i32
    %parallel_loop3A_116 = arith.constant 1 : i32
    scf.for %parallel_loop3A_169 = %parallel_loop3A_114 to %parallel_loop3A_115 step %parallel_loop3A_116  : i32 {
      %parallel_loop3A_170 = vector.broadcast %parallel_loop3A_169 : i32 to vector<16xi32>
      %parallel_loop3A_171 = arith.index_cast %parallel_loop3A_169 : i32 to index
      %parallel_loop3A_172 = arith.constant 0 : index
      %parallel_loop3A_173 = tpu.vector_load %arg5[%parallel_loop3A_171, %parallel_loop3A_172] {strides = array<i32>} : memref<512x64xf32, #tpu.memory_space<vmem>>, vector<16xf32>,
      tpu.vector_store %arg5[%parallel_loop3A_171, %parallel_loop3A_172], %broadcast_in_dim3A_38 {strides = array<i32>} : memref<512x64xf32, #tpu.memory_space<vmem>>, vector<16xf32>,
      %parallel_loop3A_174 = arith.index_cast %parallel_loop3A_169 : i32 to index
      %parallel_loop3A_175 = arith.constant 16 : index
      %parallel_loop3A_176 = tpu.vector_load %arg5[%parallel_loop3A_174, %parallel_loop3A_175] {strides = array<i32>} : memref<512x64xf32, #tpu.memory_space<vmem>>, vector<16xf32>,
      tpu.vector_store %arg5[%parallel_loop3A_174, %parallel_loop3A_175], %broadcast_in_dim3A_38 {strides = array<i32>} : memref<512x64xf32, #tpu.memory_space<vmem>>, vector<16xf32>,
      %parallel_loop3A_177 = arith.index_cast %parallel_loop3A_169 : i32 to index
      %parallel_loop3A_178 = arith.constant 32 : index
      %parallel_loop3A_179 = tpu.vector_load %arg5[%parallel_loop3A_177, %parallel_loop3A_178] {strides = array<i32>} : memref<512x64xf32, #tpu.memory_space<vmem>>, vector<16xf32>,
      tpu.vector_store %arg5[%parallel_loop3A_177, %parallel_loop3A_178], %broadcast_in_dim3A_38 {strides = array<i32>} : memref<512x64xf32, #tpu.memory_space<vmem>>, vector<16xf32>,
      %parallel_loop3A_180 = arith.index_cast %parallel_loop3A_169 : i32 to index
      %parallel_loop3A_181 = arith.constant 48 : index
      %parallel_loop3A_182 = tpu.vector_load %arg5[%parallel_loop3A_180, %parallel_loop3A_181] {strides = array<i32>} : memref<512x64xf32, #tpu.memory_space<vmem>>, vector<16xf32>,
      tpu.vector_store %arg5[%parallel_loop3A_180, %parallel_loop3A_181], %broadcast_in_dim3A_38 {strides = array<i32>} : memref<512x64xf32, #tpu.memory_space<vmem>>, vector<16xf32>,
      %parallel_loop3A_183 = arith.index_cast %parallel_loop3A_169 : i32 to index
      %parallel_loop3A_184 = arith.constant 0 : index
      %parallel_loop3A_185 = tpu.vector_load %arg4[%parallel_loop3A_183, %parallel_loop3A_184] {strides = array<i32>} : memref<512x32xi32, #tpu.memory_space<vmem>>, vector<16xi32>,
      tpu.vector_store_idx %arg5[%parallel_loop3A_170, %parallel_loop3A_185], %broadcast_in_dim3A_40 {add = true} : memref<512x64xf32, #tpu.memory_space<vmem>>[vector<16xi32>, vector<16xi32>], vector<16xf32>,
      %parallel_loop3A_186 = arith.index_cast %parallel_loop3A_169 : i32 to index
      %parallel_loop3A_187 = arith.constant 16 : index
      %parallel_loop3A_188 = tpu.vector_load %arg4[%parallel_loop3A_186, %parallel_loop3A_187] {strides = array<i32>} : memref<512x32xi32, #tpu.memory_space<vmem>>, vector<16xi32>,
      tpu.vector_store_idx %arg5[%parallel_loop3A_170, %parallel_loop3A_188], %broadcast_in_dim3A_40 {add = true} : memref<512x64xf32, #tpu.memory_space<vmem>>[vector<16xi32>, vector<16xi32>], vector<16xf32>,
    } {sc.loop_unroll_factor = 4 : i64, sc.parallel_access}
    %add3A_117 = arith.constant 384 : i32
    %add3A_118 = arith.addi %mul3A_2, %add3A_117 : i32
    %dma_start3A_119 = arith.constant 384 : i32
    %dma_start3A_120 = arith.constant 0 : i32
    %dma_start3A_121 = tpu.memref_slice %arg5[%dma_start3A_119, %dma_start3A_120] : memref<512x64xf32, #tpu.memory_space<vmem>> -> memref<128x64xf32, #tpu.memory_space<vmem>>
    %dma_start3A_122 = arith.constant 0 : i32
    %dma_start3A_123 = tpu.memref_slice %arg3[%add3A_118, %dma_start3A_122] : memref<16384x64xf32, #tpu.memory_space<hbm>> -> memref<128x64xf32, #tpu.memory_space<hbm>>
    %dma_start3A_124 = arith.constant 0 : i32
    %dma_start3A_125 = tpu.memref_slice %arg3[%add3A_118, %dma_start3A_124] : memref<16384x64xf32, #tpu.memory_space<hbm>> -> memref<128x64xf32, #tpu.memory_space<hbm>>
    %dma_start3A_126 = arith.constant 384 : i32
    %dma_start3A_127 = arith.constant 0 : i32
    %dma_start3A_128 = tpu.memref_slice %arg5[%dma_start3A_126, %dma_start3A_127] : memref<512x64xf32, #tpu.memory_space<vmem>> -> memref<128x64xf32, #tpu.memory_space<vmem>>
    tpu.enqueue_dma source(%dma_start3A_128 : memref<128x64xf32, #tpu.memory_space<vmem>>) target(%dma_start3A_125 : memref<128x64xf32, #tpu.memory_space<hbm>>) target_semaphore(%arg7 : memref<!tpu.dma_semaphore, #tpu.memory_space<semaphore_mem>>)
    %dma_wait3A_129 = arith.constant 0 : i32
    %dma_wait3A_130 = arith.constant 0 : i32
    %dma_wait3A_131 = tpu.memref_slice %arg5[%dma_wait3A_129, %dma_wait3A_130] : memref<512x64xf32, #tpu.memory_space<vmem>> -> memref<128x64xf32, #tpu.memory_space<vmem>>
    %dma_wait3A_132 = arith.constant 0 : i32
    %dma_wait3A_133 = tpu.memref_slice %arg3[%add3A_44, %dma_wait3A_132] : memref<16384x64xf32, #tpu.memory_space<hbm>> -> memref<128x64xf32, #tpu.memory_space<hbm>>
    %dma_wait3A_134 = arith.constant 0 : i32
    %dma_wait3A_135 = tpu.memref_slice %arg3[%add3A_44, %dma_wait3A_134] : memref<16384x64xf32, #tpu.memory_space<hbm>> -> memref<128x64xf32, #tpu.memory_space<hbm>>
    %dma_wait3A_136 = arith.constant 0 : i32
    %dma_wait3A_137 = arith.constant 0 : i32
    %dma_wait3A_138 = tpu.memref_slice %arg5[%dma_wait3A_136, %dma_wait3A_137] : memref<512x64xf32, #tpu.memory_space<vmem>> -> memref<128x64xf32, #tpu.memory_space<vmem>>
    tpu.wait_dma2 semaphore(%arg7 : memref<!tpu.dma_semaphore, #tpu.memory_space<semaphore_mem>>) src(%dma_wait3A_138 : memref<128x64xf32, #tpu.memory_space<vmem>>) dst(%dma_wait3A_135 : memref<128x64xf32, #tpu.memory_space<hbm>>)
    %dma_wait3A_139 = arith.constant 128 : i32
    %dma_wait3A_140 = arith.constant 0 : i32
    %dma_wait3A_141 = tpu.memref_slice %arg5[%dma_wait3A_139, %dma_wait3A_140] : memref<512x64xf32, #tpu.memory_space<vmem>> -> memref<128x64xf32, #tpu.memory_space<vmem>>
    %dma_wait3A_142 = arith.constant 0 : i32
    %dma_wait3A_143 = tpu.memref_slice %arg3[%add3A_68, %dma_wait3A_142] : memref<16384x64xf32, #tpu.memory_space<hbm>> -> memref<128x64xf32, #tpu.memory_space<hbm>>
    %dma_wait3A_144 = arith.constant 0 : i32
    %dma_wait3A_145 = tpu.memref_slice %arg3[%add3A_68, %dma_wait3A_144] : memref<16384x64xf32, #tpu.memory_space<hbm>> -> memref<128x64xf32, #tpu.memory_space<hbm>>
    %dma_wait3A_146 = arith.constant 128 : i32
    %dma_wait3A_147 = arith.constant 0 : i32
    %dma_wait3A_148 = tpu.memref_slice %arg5[%dma_wait3A_146, %dma_wait3A_147] : memref<512x64xf32, #tpu.memory_space<vmem>> -> memref<128x64xf32, #tpu.memory_space<vmem>>
    tpu.wait_dma2 semaphore(%arg7 : memref<!tpu.dma_semaphore, #tpu.memory_space<semaphore_mem>>) src(%dma_wait3A_148 : memref<128x64xf32, #tpu.memory_space<vmem>>) dst(%dma_wait3A_145 : memref<128x64xf32, #tpu.memory_space<hbm>>)
    %dma_wait3A_149 = arith.constant 256 : i32
    %dma_wait3A_150 = arith.constant 0 : i32
    %dma_wait3A_151 = tpu.memref_slice %arg5[%dma_wait3A_149, %dma_wait3A_150] : memref<512x64xf32, #tpu.memory_space<vmem>> -> memref<128x64xf32, #tpu.memory_space<vmem>>
    %dma_wait3A_152 = arith.constant 0 : i32
    %dma_wait3A_153 = tpu.memref_slice %arg3[%add3A_93, %dma_wait3A_152] : memref<16384x64xf32, #tpu.memory_space<hbm>> -> memref<128x64xf32, #tpu.memory_space<hbm>>
    %dma_wait3A_154 = arith.constant 0 : i32
    %dma_wait3A_155 = tpu.memref_slice %arg3[%add3A_93, %dma_wait3A_154] : memref<16384x64xf32, #tpu.memory_space<hbm>> -> memref<128x64xf32, #tpu.memory_space<hbm>>
    %dma_wait3A_156 = arith.constant 256 : i32
    %dma_wait3A_157 = arith.constant 0 : i32
    %dma_wait3A_158 = tpu.memref_slice %arg5[%dma_wait3A_156, %dma_wait3A_157] : memref<512x64xf32, #tpu.memory_space<vmem>> -> memref<128x64xf32, #tpu.memory_space<vmem>>
    tpu.wait_dma2 semaphore(%arg7 : memref<!tpu.dma_semaphore, #tpu.memory_space<semaphore_mem>>) src(%dma_wait3A_158 : memref<128x64xf32, #tpu.memory_space<vmem>>) dst(%dma_wait3A_155 : memref<128x64xf32, #tpu.memory_space<hbm>>)
    %dma_wait3A_159 = arith.constant 384 : i32
    %dma_wait3A_160 = arith.constant 0 : i32
    %dma_wait3A_161 = tpu.memref_slice %arg5[%dma_wait3A_159, %dma_wait3A_160] : memref<512x64xf32, #tpu.memory_space<vmem>> -> memref<128x64xf32, #tpu.memory_space<vmem>>
    %dma_wait3A_162 = arith.constant 0 : i32
    %dma_wait3A_163 = tpu.memref_slice %arg3[%add3A_118, %dma_wait3A_162] : memref<16384x64xf32, #tpu.memory_space<hbm>> -> memref<128x64xf32, #tpu.memory_space<hbm>>
    %dma_wait3A_164 = arith.constant 0 : i32
    %dma_wait3A_165 = tpu.memref_slice %arg3[%add3A_118, %dma_wait3A_164] : memref<16384x64xf32, #tpu.memory_space<hbm>> -> memref<128x64xf32, #tpu.memory_space<hbm>>
    %dma_wait3A_166 = arith.constant 384 : i32
    %dma_wait3A_167 = arith.constant 0 : i32
    %dma_wait3A_168 = tpu.memref_slice %arg5[%dma_wait3A_166, %dma_wait3A_167] : memref<512x64xf32, #tpu.memory_space<vmem>> -> memref<128x64xf32, #tpu.memory_space<vmem>>
    tpu.wait_dma2 semaphore(%arg7 : memref<!tpu.dma_semaphore, #tpu.memory_space<semaphore_mem>>) src(%dma_wait3A_168 : memref<128x64xf32, #tpu.memory_space<vmem>>) dst(%dma_wait3A_165 : memref<128x64xf32, #tpu.memory_space<hbm>>)
    return
  }
}

module attributes {stable_mosaic.version = 14 : i64} {
  func.func @_mm_body(%arg0: i32, %arg1: memref<8192x64xf32, #tpu.memory_space<vmem>>, %arg2: memref<64x128xf32, #tpu.memory_space<vmem>>, %arg3: memref<8192x128xf32, #tpu.memory_space<vmem>>) attributes {dimension_semantics = [#tpu.dimension_semantics<arbitrary>], iteration_bounds = array<i64: 2>, scalar_prefetch = 0 : i64, scratch_operands = 0 : i64, tpu.core_type = #tpu.core_type<tc>, window_params = [{transform_indices = @transform_0, window_bounds = array<i64: 8192, 64>}, {pipeline_mode = #tpu.pipeline_mode<synchronous>, transform_indices = @transform_1, window_bounds = array<i64: 64, 128>}, {transform_indices = @transform_2, window_bounds = array<i64: 8192, 128>}]} {
    %get3A = arith.constant 0 : index
    %get3A_0 = arith.constant 0 : index
    %get3A_1 = vector.load %arg1[%get3A, %get3A_0] : memref<8192x64xf32, #tpu.memory_space<vmem>>, vector<8192x64xf32>
    %get3A_2 = arith.constant 0 : index
    %get3A_3 = arith.constant 0 : index
    %get3A_4 = vector.load %arg2[%get3A_2, %get3A_3] : memref<64x128xf32, #tpu.memory_space<vmem>>, vector<64x128xf32>
    %dot_general3A = arith.constant dense<0.000000e+00> : vector<8192x128xf32>
    %dot_general3A_5 = tpu.matmul %get3A_1, %get3A_4, %dot_general3A {dimension_numbers = #tpu.dot_dimension_numbers<[1], [0], [0], [1], [0, 0, 1, 1], [], []>, transpose_lhs_hint = false} : vector<8192x64xf32>, vector<64x128xf32>, vector<8192x128xf32> -> vector<8192x128xf32>
    %swap3A = arith.constant 0 : index
    %swap3A_6 = arith.constant 0 : index
    %swap3A_7 = vector.load %arg3[%swap3A, %swap3A_6] : memref<8192x128xf32, #tpu.memory_space<vmem>>, vector<8192x128xf32>
    tpu.vector_store %arg3[%swap3A, %swap3A_6], %dot_general3A_5 {strides = array<i32>} : memref<8192x128xf32, #tpu.memory_space<vmem>>, vector<8192x128xf32>,
    return
  }
  func.func @transform_0(%arg0: i32) -> (i32, i32) {
    %c0_i32 = arith.constant 0 : i32
    %c0_i32_0 = arith.constant 0 : i32
    return %arg0, %c0_i32 : i32, i32
  }
  func.func @transform_1(%arg0: i32) -> (i32, i32) {
    %c0_i32 = arith.constant 0 : i32
    %c0_i32_0 = arith.constant 0 : i32
    %c0_i32_1 = arith.constant 0 : i32
    return %c0_i32, %c0_i32_0 : i32, i32
  }
  func.func @transform_2(%arg0: i32) -> (i32, i32) {
    %c0_i32 = arith.constant 0 : i32
    %c0_i32_0 = arith.constant 0 : i32
    return %arg0, %c0_i32 : i32, i32
  }
}

</mosaic_0001>

<sc_bundles>
// kernel: kernel.4.cloned.1.call-start
scs
__scs_entry_jumppad:
0x0: {  	(pc) =	sbr.rel $0x88, $3  }
0x1: {  	(tag) =	ssettag $0x0;
	lr =	simm.s32 $0x1  }
0x2: {  	[smem:$0x3F9F] =	sst lr;
	_ =	strace $0xD0000000  }
0x3: {  	_ = 	snop  }
0x4: {  	_ = 	snop  }
0x5: {  	_ = 	snop  }
0x6: {  	_ = 	snop  }
0x7: {  	_ = 	snop  }
__scs_overlays_trampoline_lowered:
0x8: {  	[smem:$0x3FAE] =	sst s0  }
0x9: {  	[smem:$0x3FAF] =	sst s1  }
0xa: {  	[smem:$0x3FB0] =	sst s2  }
0xb: {  	[smem:$0x3FB1] =	sst s3  }
0xc: {  	[smem:$0x3FB2] =	sst s4  }
0xd: {  	[smem:$0x3FB3] =	sst s5  }
0xe: {  	[smem:$0x3FB4] =	sst s6  }
0xf: {  	[smem:$0x3FB5] =	sst s7  }
0x10: {  	[smem:$0x3FB6] =	sst s8  }
0x11: {  	[smem:$0x3FB7] =	sst s9;
	s0 =	simm.s32 @!p0 $0x0  }
0x12: {  	s1 =	sld [smem:$0x3F9D];
	s0 =	simm.s32 @p0 $0x1  }
0x13: {  	[smem:$0x3FB8] =	sst s0;
	s0 =	simm.s32 @!p1 $0x0  }
0x14: {  	s2 =	sld [smem:$0x3F9C];
	s0 =	simm.s32 @p1 $0x1  }
0x15: {  	[smem:$0x3FB9] =	sst s0;
	s0 =	simm.s32 @!p2 $0x0  }
0x16: {  	s3 =	sld [smem:$0x3FDB];
	s0 =	simm.s32 @p2 $0x1  }
0x17: {  	s4 =	simm.s32 $0x1BF5;
	[smem:$0x3FBB] =	sst s0  }
0x18: {  	s0 =	sld [smem:$0x3F9E];
	_ =	swait.ge [sflag:s4], $0x0  }
0x19: {  	s7 =	sld [smem:$0x3F9F]  }
0x1a: {  	s8 =	sadd.s32 $0xFFFFE003, lr  }
0x1b: {  	s9 =	sadd.s32 $0xFFFFFEF7, lr;
	s5 =	simm.s32 $0xFFFFFFFF;
	p2 =	slt.u32 s8, $0xFFFFF086  }
0x1c: {  	p1 =	slt.u32 s9, $0xF7A;
	s5 =	simm.s32 @!p2 $0x0  }
0x1d: {  	s5 =	simm.s32 @p1 $0x1;
	p0 =	seq.s32 s7, s2  }
0x1e: {  	s7 =	smul.u32 @!p0 $0xF7A, s2;
	p2 =	seq.s32 @!p0 s5, $0x0  }
0x1f: {  	s9 =	smul.u32 $0xF7A, s1;
	s8 =	simm.s32 @!p0 $0x1BF5;
	p2 =	por !p2, p0  }
0x20: {  	[sflag:s8] =	ssyncset.s32 @!p0 $0xFFFFF086;
	s6 =	sadd.s32 @!p0 s3, s7;
	s7 =	simm.s32 @!p0 $0x108  }
0x21: {  	s3 =	sadd.s32 s3, s9;
	s6 =	sadd.s32 @!p0 $0x88, s6;
	s7 =	simm.s32 @p2 $0x1082  }
0x22: {  	[simem:s7], [sflag:s8] =	dma.local @!p0 [hbm:s6], $0xF7A  }
0x23: {  	s9 =	sor.u32 $0xD0000000, s2;
	s6 =	simm.s32 $0x108;
	_ =	swait.ge @!p0 [sflag:s8], $0x0  }
0x24: {  	s3 =	sadd.s32 $0x88, s3;
	s6 =	simm.s32 @!p1 $0x1082;
	[sflag:s4] =	ssyncset.s32 $0xFFFFF086  }
0x25: {  	[simem:s6], [sflag:s4] =	dma.local [hbm:s3], $0xF7A  }
0x26: {  	[smem:$0x3F9F] =	sst s1;
	(tag) =	ssettag s2;
	_ =	strace s9  }
0x27: {  	s1 =	sld [smem:$0x3FAF]  }
0x28: {  	s2 =	sld [smem:$0x3FB0]  }
0x29: {  	s4 =	sld [smem:$0x3FB2]  }
0x2a: {  	p0 =	seq.s32 s5, $0x0;
	s5 =	sld [smem:$0x3FB3]  }
0x2b: {  	s6 =	sld [smem:$0x3FB4]  }
0x2c: {  	s7 =	sld [smem:$0x3FB5]  }
0x2d: {  	s3 =	simm.s32 $0x108;
	s8 =	sld [smem:$0x3FB6]  }
0x2e: {  	s3 =	simm.s32 @!p0 $0x1082;
	s9 =	sld [smem:$0x3FB7]  }
0x2f: {  	lr =	sadd.s32 s0, s3;
	s0 =	sld [smem:$0x3FAE]  }
0x30: {  	s3 =	sld [smem:$0x3FB1]  }
0x31: {  	[smem:$0x3FBA] =	sst s10  }
0x32: {  	s10 =	sld [smem:$0x3FB8];
	_ =	sdelay $0x3  }
0x33: {  	p0 =	seq.s32 s10, $0x1;
	s10 =	sld [smem:$0x3FBA];
	_ =	sdelay $0x3  }
0x34: {  	[smem:$0x3FBA] =	sst s10  }
0x35: {  	s10 =	sld [smem:$0x3FB9];
	_ =	sdelay $0x3  }
0x36: {  	p1 =	seq.s32 s10, $0x1;
	s10 =	sld [smem:$0x3FBA];
	_ =	sdelay $0x3  }
0x37: {  	[smem:$0x3FBA] =	sst s10  }
0x38: {  	s10 =	sld [smem:$0x3FBB]  }
0x39: {  	_ = 	snop;
	(pc) =	sbr.ind lr, $3  }
0x3a: {  	_ = 	snop  }
0x3b: {  	_ = 	snop  }
0x3c: {  	p2 =	seq.s32 s10, $0x1;
	s10 =	sld [smem:$0x3FBA]  }
0x3d: {  	_ =	shalt  }
0x3e: {  	_ =	shalt  }
0x3f: {  	_ =	shalt  }
0x40: {  	_ =	shalt  }
0x41: {  	_ =	shalt  }
0x42: {  	_ =	shalt  }
0x43: {  	_ =	shalt  }
0x44: {  	_ =	shalt  }
0x45: {  	_ =	shalt  }
0x46: {  	_ =	shalt  }
0x47: {  	_ =	shalt  }
0x48: {  	_ =	shalt  }
0x49: {  	_ =	shalt  }
0x4a: {  	_ =	shalt  }
0x4b: {  	_ =	shalt  }
0x4c: {  	_ =	shalt  }
0x4d: {  	_ =	shalt  }
0x4e: {  	_ =	shalt  }
0x4f: {  	_ =	shalt  }
0x50: {  	_ =	shalt  }
0x51: {  	_ =	shalt  }
0x52: {  	_ =	shalt  }
0x53: {  	_ =	shalt  }
0x54: {  	_ =	shalt  }
0x55: {  	_ =	shalt  }
0x56: {  	_ =	shalt  }
0x57: {  	_ =	shalt  }
0x58: {  	_ =	shalt  }
0x59: {  	_ =	shalt  }
0x5a: {  	_ =	shalt  }
0x5b: {  	_ =	shalt  }
0x5c: {  	_ =	shalt  }
0x5d: {  	_ =	shalt  }
0x5e: {  	_ =	shalt  }
0x5f: {  	_ =	shalt  }
0x60: {  	_ =	shalt  }
0x61: {  	_ =	shalt  }
0x62: {  	_ =	shalt  }
0x63: {  	_ =	shalt  }
0x64: {  	_ =	shalt  }
0x65: {  	_ =	shalt  }
0x66: {  	_ =	shalt  }
0x67: {  	_ =	shalt  }
0x68: {  	_ =	shalt  }
0x69: {  	_ =	shalt  }
0x6a: {  	_ =	shalt  }
0x6b: {  	_ =	shalt  }
0x6c: {  	_ =	shalt  }
0x6d: {  	_ =	shalt  }
0x6e: {  	_ =	shalt  }
0x6f: {  	_ =	shalt  }
0x70: {  	_ =	shalt  }
0x71: {  	_ =	shalt  }
0x72: {  	_ =	shalt  }
0x73: {  	_ =	shalt  }
0x74: {  	_ =	shalt  }
0x75: {  	_ =	shalt  }
0x76: {  	_ =	shalt  }
0x77: {  	_ =	shalt  }
0x78: {  	_ =	shalt  }
0x79: {  	_ =	shalt  }
0x7a: {  	_ =	shalt  }
0x7b: {  	_ =	shalt  }
0x7c: {  	_ =	shalt  }
0x7d: {  	_ =	shalt  }
0x7e: {  	_ =	shalt  }
0x7f: {  	_ =	shalt  }
0x80: {  	_ =	shalt  }
0x81: {  	_ =	shalt  }
0x82: {  	_ =	shalt  }
0x83: {  	_ =	shalt  }
0x84: {  	_ =	shalt  }
0x85: {  	_ =	shalt  }
0x86: {  	_ =	shalt  }
0x87: {  	_ =	shalt  }
.Lfunc_end0:
.L_simem_size_0:
called_computation_lowered:
.L_overlay_start_0:
0x88: {  	s2 =	sld [smem:$0x3FD9]  }
0x89: {  	s3 =	sld [smem:$0x3FFE];
	_ =	sdelay $0x1  }
0x8a: {  	s1 =	srdreg.scid  }
0x8b: {  	s0 =	sand.u32 $0x1, s1  }
0x8c: {  	s17 =	sshll.u32 s0, $0xA;
	s2 =	sadd.s32 s3, s2  }
0x8d: {  	s2 =	sadd.s32 s2, s17  }
0x8e: {  	[smem:$0x3FC6] =	sst s2  }
0x8f: {  	_ = 	snop  }
0x90: {  	s2 =	sld [smem:$0x3FD0];
	(tm) =	ssettm $0x1  }
0x91: {  	s18 =	sld [smem:$0x3FFB];
	_ =	sdelay $0x3  }
0x92: {  	_ =	strace s18  }
0x93: {  	s3 =	sld [smem:$0x3FFC];
	_ =	sdelay $0x3  }
0x94: {  	_ =	strace s3  }
0x95: {  	s3 =	sld [smem:$0x3FFD];
	_ =	sdelay $0x3  }
0x96: {  	_ =	strace s3  }
0x97: {  	_ =	strace $0x8FFFFFFF  }
0x98: {  	s19 =	sld [smem:$0x3FDB];
	_ =	sdelay $0x1  }
0x99: {  	s4 =	simm.s32 $_scs_section_size  }
0x9a: {  	s5 =	simm.s32 $_size__tile_overlayer_lowered;
	s6 =	simm.s32 $_tile_overlayer_lowered  }
0x9b: {  	s22 =	simm.s32 $0x1BFF;
	s21 =	sshll.u32 s6, $0x1;
	s3 =	sadd.s32 s4, s19  }
0x9c: {  	s7 =	simm.s32 $0x0;
	s20 =	sshll.u32 s5, $0x1;
	s5 =	sadd.s32 s21, s3  }
0x9d: {  	[timem:s7], [sflag:s22] =	dma.local [hbm:s5], s20  }
0x9e: {  	_ =	swait.ge [sflag:s22], s20  }
0x9f: {  	s4 =	ssub.s32 $0x0, s20;
	[sflag:s22] =	ssyncset.done $0x0  }
0xa0: {  	[sflag:s22] =	ssyncadd.s32 s4;
	_ =	sdelay $0x1  }
0xa1: {  	s23 =	simm.s32 $0x1B8B  }
0xa2: {  	_ =	swait.ge [sflag:s23], $0x1  }
0xa3: {  	[sflag:s23] =	ssyncset.done $0x0  }
0xa4: {  	s25 =	simm.s32 $0x1B8E;
	s24 =	sld [smem:$0x3FFE];
	[sflag:s23] =	ssyncadd.s32 $0xFFFFFFFF  }
0xa5: {  	s26 =	simm.s32 $execute0_lowered;
	[smem:$0x3FD2] =	sst s25  }
0xa6: {  	s5 =	sshll.u32 s26, $0x1;
	_ =	strace $0x80000046;
	[dreg:$0x1] =	wrdreg $0xFFFFFFFF  }
0xa7: {  	s28 =	simm.s32 $_size_execute0_lowered;
	s3 =	sadd.s32 s3, s5;
	[dreg:$0x0] =	wrdreg $0x0  }
0xa8: {  	s5 =	sshll.u32 s28, $0x1;
	[dreg:$0x2] =	wrdreg s3  }
0xa9: {  	[dreg:$0x3] =	wrdreg s5  }
0xaa: {  	[dreg:$0x4] =	wrdreg $0xC0  }
0xab: {  	_ =	task [dreg:s7], $0x5FFFF  }
0xac: {  	[dreg:$0x1] =	wrdreg $0xFFFFFFFF  }
0xad: {  	[dreg:$0x0] =	wrdreg $0x60  }
0xae: {  	[dreg:$0x2] =	wrdreg s2  }
0xaf: {  	[dreg:$0x3] =	wrdreg s24  }
0xb0: {  	[dreg:$0x4] =	wrdreg $0x9  }
0xb1: {  	_ =	task.clear_ibuf [dreg:s7], $0x5FFFF;
	_ =	strace $0x90000046  }
0xb2: {  	s29 =	simm.s32 $0x9;
	_ =	strace $0x80000048  }
0xb3: {  	_ =	swait.ge [sflag:s29], $0x1  }
0xb4: {  	[sflag:s29] =	ssyncadd.s32 $0xFFFFFFFF  }
0xb5: {  	_ =	strace $0x90000048  }
0xb6: {  	_ =	sfence  }
0xb7: {  	s30 =	sld [smem:$0x0];
	_ =	sdelay $0x2  }
0xb8: {  	s31 =	sshll.u32 s1, $0xD;
	s1 =	sshrl.u32 s1, $0x2  }
0xb9: {  	s3 =	sand.u32 $0x4000, s31;
	s1 =	sadd.s32 s1, s30  }
0xba: {  	s0 =	sor.u32 s3, s0;
	s1 =	sshll.u32 s1, $0x11  }
0xbb: {  	s0 =	sor.u32 s1, s0  }
0xbc: {  	s0 =	sadd.s32 $0x8F2B, s0  }
0xbd: {  	[sflag:s0] =	ssyncadd.remote.s32 $0x1  }
0xbe: {  	_ =	sfence.sel $0xFFFF  }
0xbf: {  	[dreg:$0x0] =	wrdreg $0xFFFFFFFF;
	(pc) =	sbr.abs _section_cstart, $3  }
0xc0: {  	[dreg:$0x1] =	wrdreg $0xFFFFFFFF  }
0xc1: {  	_ =	task.clear_ibuf [dreg:s7], $0x2FFFF;
	_ =	strace $0x9FFFFFFF  }
0xc2: {  	(tm) =	ssettm $0x7FFFFFFF  }
0xc3: {  	_ =	shalt  }
tec
execute0_lowered:
.L_overlay_start_1:
0x0: {  	(tag) =	ssettag $0x1  }
0x1: {  	s6 =	rddreg [dreg:$0x0]  }
0x2: {  	s3 =	rddreg [dreg:$0x1]  }
0x3: {  	s2 =	simm.s32 $0x0;
	s4 =	srdreg.scid;
	s0 =	stileid.u32  }
0x4: {  	s13 =	simm.s32 $0x4000;
	s14 =	simm.s32 $0x8000;
	s15 =	simm.s32 $0xC000  }
0x5: {  	s16 =	simm.s32 $0x10000;
	s17 =	simm.s32 $0x1;
	s18 =	simm.s32 $0x14000  }
0x6: {  	s19 =	simm.s32 $0x18000;
	s20 =	simm.s32 $0x1C000;
	s21 =	simm.s32 $0x2  }
0x7: {  	s22 =	simm.s32 $0x0;
	[smem:$0x7FF] =	sst s2;
	s4 =	sand.u32 $0x1, s4  }
0x8: {  	s7 =	sshll.u32 s0, $0xE;
	s5 =	ssub.s32 $0x2, s4;
	s4 =	sshll.u32 s4, $0xD  }
0x9: {  	s10 =	sadd.s32 $0x800, s3;
	s31 =	sshrl.u32 s5, $0x1;
	s7 =	sor.u32 s4, s7  }
0xa: {  	_ =	strace $0x80000047;
	s11 =	ssub.s32 s5, s31;
	s3 =	sadd.s32 s6, s7  }
0xb: {  	s8 =	sor.u32 $0x800, s7;
	s9 =	sor.u32 $0x1000, s7;
	s12 =	sor.u32 $0x1800, s7  }
0xc: {  	s7 =	sadd.s32 s10, s7;
	s4 =	sadd.s32 s6, s8;
	s5 =	sadd.s32 s6, s9  }
0xd: {  	s6 =	sadd.s32 s6, s12;
	s8 =	sadd.s32 s10, s8;
	s9 =	sadd.s32 s10, s9  }
0xe: {  	v0 =	vimm.f32 $0.0e+00;
	v1 =	vimm.f32 $1.000000000e+00;
	s10 =	sadd.s32 s10, s12;
	s11 =	smax.u32 s11, $0x1;
	s12 =	simm.s32 $0x3  }
.LBB2_1:
0xf: {  	[tilespmem:s2], [sflag:$0x3] =	stream.linear.gather [hbm4b:s3+s2], $0x4000, $0x38;
	v63 =	vld [tilespmem:$0x0]  }
0x10: {  	_ =	swait.ge [sflag:s12], $0x4000  }
0x11: {  	[sflag:s12] =	ssyncset.done $0x0  }
0x12: {  	[sflag:s12] =	ssyncadd.s32 $0xFFFFC000  }
0x13: {  	[tilespmem:s13], [sflag:$0x1] =	stream.linear.gather [hbm4b:s4+s2], $0x4000, $0x38;
	v63 =	vld [tilespmem:$0x0]  }
0x14: {  	_ = 	snop  }
0x15: {  	[tilespmem:s14], [sflag:$0x1] =	stream.linear.gather [hbm4b:s5+s2], $0x4000, $0x38;
	v63 =	vld [tilespmem:$0x0]  }
0x16: {  	s23 =	simm.s32 $0x10100  }
0x17: {  	[tilespmem:s15], [sflag:$0x1] =	stream.linear.gather [hbm4b:s6+s2], $0x4000, $0x38;
	v63 =	vld [tilespmem:$0x0]  }
0x18: {  	[tilespmem:s23+$0x0] =	vst v0  }
0x19: {  	[tilespmem:s23+$0x20] =	vst v0  }
0x1a: {  	[tilespmem:s23+$0x30] =	vst v0  }
0x1b: {  	[tilespmem:s23+$0x80] =	vst v0  }
0x1c: {  	[tilespmem:s23+$0xA0] =	vst v0  }
0x1d: {  	[tilespmem:s23+$0x90] =	vst v0  }
0x1e: {  	[tilespmem:s23+$0xFFFFFF00] =	vst v0  }
0x1f: {  	[tilespmem:s23+$0xFFFFFFB0] =	vst v0  }
0x20: {  	[tilespmem:s23+$0xFFFFFF30] =	vst v0  }
0x21: {  	[tilespmem:s23+$0xFFFFFF20] =	vst v0  }
0x22: {  	s25 =	simm.s32 $0x100;
	[tilespmem:s23+$0xFFFFFF10] =	vst v0  }
0x23: {  	[tilespmem:s23+$0xB0] =	vst v0;
	v2 =	vld [tilespmem:s25+$0xFFFFFF00]  }
0x24: {  	[tilespmem:s23+$0x10] =	vst v0;
	v3 =	vld [tilespmem:s25+$0x80]  }
0x25: {  	[tilespmem:s23+$0xFFFFFF90] =	vst v0;
	v4 =	vld [tilespmem:s25+$0x0]  }
0x26: {  	[tilespmem:s23+$0xFFFFFF80] =	vst v0  }
0x27: {  	s26 =	simm.s32 $0x10300;
	[tilespmem:s23+$0xFFFFFFA0] =	vst v0  }
0x28: {  	[tilespmem:s26+$0x0] =	vst v0;
	v5 =	vld [tilespmem:s25+$0xFFFFFF80]  }
0x29: {  	s24 =	simm.s32 $0x180;
	[tilespmem:s26+$0x20] =	vst v0;
	v6 =	vand.u32 $0xFFFFFF80, v2;
	v7 =	vand.u32 $0xFFFFFF80, v3  }
0x2a: {  	s23 =	simm.s32 $0x0;
	[tilespmem:s26+$0x30] =	vst v0;
	v8 =	vand.u32 $0xFFFFFF80, v4;
	v3 =	vand.u32 $0x7F, v3;
	v7 =	vadd.s32 s24, v7  }
0x2b: {  	s29 =	simm.s32 $0x100;
	[tilespmem:s26+$0x80] =	vst v0;
	v2 =	vand.u32 $0x7F, v2;
	v6 =	vadd.s32 s23, v6;
	v3 =	vor.u32 v3, v7  }
0x2c: {  	[tilespmem:s26+$0xA0] =	vst v0;
	v4 =	vand.u32 $0x7F, v4;
	v2 =	vor.u32 v2, v6;
	v6 =	vadd.s32 s29, v8  }
0x2d: {  	s31 =	simm.s32 $0x80;
	[tilespmem:s26+$0x90] =	vst v0;
	v7 =	vand.u32 $0xFFFFFF80, v5;
	v4 =	vor.u32 v4, v6  }
0x2e: {  	[tilespmem:s26+$0xFFFFFF00] =	vst v0;
	v5 =	vand.u32 $0x7F, v5;
	v6 =	vadd.s32 s31, v7  }
0x2f: {  	[tilespmem:s26+$0xFFFFFFB0] =	vst v0;
	v5 =	vor.u32 v5, v6  }
0x30: {  	[tilespmem:v3+s16+$0x0] =	vst.idx.add.f32.msk $0xffff, v1  }
0x31: {  	[tilespmem:v2+s16+$0x0] =	vst.idx.add.f32.msk $0xffff, v1  }
0x32: {  	[tilespmem:v4+s16+$0x0] =	vst.idx.add.f32.msk $0xffff, v1  }
0x33: {  	[tilespmem:s26+$0xFFFFFF90] =	vst v0;
	v3 =	vld [tilespmem:s25+$0x10]  }
0x34: {  	[tilespmem:v5+s16+$0x0] =	vst.idx.add.f32.msk $0xffff, v1  }
0x35: {  	[tilespmem:s26+$0xFFFFFF80] =	vst v0;
	v8 =	vld [tilespmem:s25+$0xFFFFFF90]  }
0x36: {  	[tilespmem:s26+$0xFFFFFF30] =	vst v0;
	v2 =	vld [tilespmem:s25+$0xFFFFFF10]  }
0x37: {  	s28 =	simm.s32 $0x300;
	[tilespmem:s26+$0xFFFFFFA0] =	vst v0;
	v4 =	vld [tilespmem:s25+$0x90]  }
0x38: {  	[tilespmem:s26+$0xFFFFFF20] =	vst v0;
	v7 =	vld [tilespmem:s28+$0xFFFFFF80];
	v5 =	vand.u32 $0xFFFFFF80, v3  }
0x39: {  	[tilespmem:s26+$0xFFFFFF10] =	vst v0;
	v3 =	vand.u32 $0x7F, v3;
	v6 =	vadd.s32 s29, v5  }
0x3a: {  	s30 =	simm.s32 $0x10500;
	[tilespmem:s26+$0x10] =	vst v0;
	v5 =	vld [tilespmem:s28+$0xFFFFFF00];
	v9 =	vand.u32 $0xFFFFFF80, v8;
	v3 =	vor.u32 v3, v6  }
0x3b: {  	[tilespmem:s26+$0xB0] =	vst v0;
	s26 =	simm.s32 $0x300;
	s25 =	simm.s32 $0x200;
	s29 =	simm.s32 $0x8;
	v8 =	vand.u32 $0x7F, v8;
	v6 =	vld [tilespmem:s28+$0x0];
	v9 =	vadd.s32 s31, v9  }
.LBB2_2:
0x3c: {  	s0 =	sshll.u32 s29, $0x7;
	[tilespmem:s30+$0x0] =	vst v0;
	p0 =	slt.u32 s29, $0x7C;
	s29 =	sadd.s32 $0x4, s29;
	v10 =	vld [tilespmem:s28+$0x80];
	v11 =	vand.u32 $0x7F, v2;
	v8 =	vor.u32 v8, v9;
	v9 =	vand.u32 $0x7F, v4  }
0x3d: {  	s31 =	sadd.s32 $0x80, s25;
	v2 =	vand.u32 $0xFFFFFF80, v2;
	v4 =	vand.u32 $0xFFFFFF80, v4;
	[tilespmem:s30+$0x20] =	vst v0;
	v12 =	vand.u32 $0xFFFFFF80, v7  }
0x3e: {  	v7 =	vand.u32 $0x7F, v7;
	v2 =	vadd.s32 s23, v2;
	s23 =	smov.u32 s25;
	s25 =	smov.u32 s0;
	[tilespmem:s30+$0x30] =	vst v0;
	v12 =	vadd.s32 s31, v12  }
0x3f: {  	v2 =	vor.u32 v11, v2;
	v7 =	vor.u32 v7, v12;
	[tilespmem:v3+s16+$0x0] =	vst.idx.add.f32.msk $0xffff, v1;
	v3 =	vadd.s32 s24, v4  }
0x40: {  	v4 =	vand.u32 $0xFFFFFF80, v5;
	[tilespmem:s30+$0x80] =	vst v0;
	v11 =	vand.u32 $0xFFFFFF80, v6;
	v3 =	vor.u32 v9, v3  }
0x41: {  	v5 =	vand.u32 $0x7F, v5;
	s24 =	sadd.s32 $0x180, s23;
	v4 =	vadd.s32 s23, v4;
	v9 =	vand.u32 $0xFFFFFF80, v10;
	[tilespmem:v8+s16+$0x0] =	vst.idx.add.f32.msk $0xffff, v1  }
0x42: {  	v4 =	vor.u32 v5, v4;
	v5 =	vand.u32 $0x7F, v10;
	[tilespmem:s30+$0xA0] =	vst v0;
	v8 =	vadd.s32 s24, v9  }
0x43: {  	s0 =	sadd.s32 $0x100, s23;
	[tilespmem:s30+$0x90] =	vst v0;
	v5 =	vor.u32 v5, v8  }
0x44: {  	s28 =	sadd.s32 $0x200, s28;
	v6 =	vand.u32 $0x7F, v6;
	v8 =	vadd.s32 s0, v11;
	[tilespmem:s30+$0xFFFFFF00] =	vst v0  }
0x45: {  	v6 =	vor.u32 v6, v8;
	[tilespmem:v3+s16+$0x0] =	vst.idx.add.f32.msk $0xffff, v1  }
0x46: {  	[tilespmem:v2+s16+$0x0] =	vst.idx.add.f32.msk $0xffff, v1  }
0x47: {  	[tilespmem:s30+$0xFFFFFFB0] =	vst v0  }
0x48: {  	[tilespmem:v5+s16+$0x0] =	vst.idx.add.f32.msk $0xffff, v1  }
0x49: {  	[tilespmem:v4+s16+$0x0] =	vst.idx.add.f32.msk $0xffff, v1  }
0x4a: {  	[tilespmem:v6+s16+$0x0] =	vst.idx.add.f32.msk $0xffff, v1  }
0x4b: {  	[tilespmem:s30+$0xFFFFFF90] =	vst v0;
	v3 =	vld [tilespmem:s26+$0x10]  }
0x4c: {  	[tilespmem:v7+s16+$0x0] =	vst.idx.add.f32.msk $0xffff, v1  }
0x4d: {  	[tilespmem:s30+$0xFFFFFF80] =	vst v0;
	v8 =	vld [tilespmem:s26+$0xFFFFFF90]  }
0x4e: {  	[tilespmem:s30+$0xFFFFFF30] =	vst v0;
	v2 =	vld [tilespmem:s26+$0xFFFFFF10]  }
.Ltmp0:
0x4f: {  	[tilespmem:s30+$0xFFFFFFA0] =	vst v0;
	v4 =	vld [tilespmem:s26+$0x90];
	s26 =	smov.u32 s28;
	(pc) =	sbr.rel @p0 .LBB2_2-.Ltmp0, $4  }
0x50: {  	[tilespmem:s30+$0xFFFFFF20] =	vst v0;
	v7 =	vld [tilespmem:s28+$0xFFFFFF80];
	v5 =	vand.u32 $0xFFFFFF80, v3  }
0x51: {  	v3 =	vand.u32 $0x7F, v3;
	[tilespmem:s30+$0xFFFFFF10] =	vst v0;
	v6 =	vadd.s32 s0, v5  }
0x52: {  	v5 =	vld [tilespmem:s28+$0xFFFFFF00];
	[tilespmem:s30+$0x10] =	vst v0;
	v9 =	vand.u32 $0xFFFFFF80, v8;
	v3 =	vor.u32 v3, v6  }
0x53: {  	v8 =	vand.u32 $0x7F, v8;
	v6 =	vld [tilespmem:s28+$0x0];
	[tilespmem:s30+$0xB0] =	vst v0;
	s30 =	sadd.s32 $0x200, s30;
	v9 =	vadd.s32 s31, v9  }
0x54: {  	v10 =	vld [tilespmem:s28+$0x80];
	_ =	sdelay $0x1  }
0x55: {  	s29 =	sadd.s32 $0x80, s25;
	v48 =	vand.u32 $0xFFFFFF80, v7  }
0x56: {  	v49 =	vand.u32 $0x7F, v7;
	v50 =	vadd.s32 s29, v48  }
0x57: {  	s28 =	sadd.s32 $0x100, s25;
	v7 =	vor.u32 v49, v50;
	v12 =	vand.u32 $0xFFFFFF80, v6  }
0x58: {  	s0 =	sadd.s32 $0x180, s25;
	v46 =	vand.u32 $0x7F, v6;
	v11 =	vand.u32 $0xFFFFFF80, v10;
	v47 =	vadd.s32 s28, v12  }
0x59: {  	v10 =	vand.u32 $0x7F, v10;
	v11 =	vadd.s32 s0, v11;
	v6 =	vor.u32 v46, v47  }
0x5a: {  	v51 =	vand.u32 $0xFFFFFF80, v5;
	v10 =	vor.u32 v10, v11  }
0x5b: {  	v5 =	vand.u32 $0x7F, v5;
	v11 =	vadd.s32 s25, v51  }
0x5c: {  	v5 =	vor.u32 v5, v11;
	[tilespmem:v7+s16+$0x0] =	vst.idx.add.f32.msk $0xffff, v1  }
0x5d: {  	v7 =	vld [tilespmem:s26+$0xFFFFFF90]  }
0x5e: {  	[tilespmem:v6+s16+$0x0] =	vst.idx.add.f32.msk $0xffff, v1  }
0x5f: {  	[tilespmem:v10+s16+$0x0] =	vst.idx.add.f32.msk $0xffff, v1  }
0x60: {  	v6 =	vld [tilespmem:s26+$0x10]  }
0x61: {  	[tilespmem:v5+s16+$0x0] =	vst.idx.add.f32.msk $0xffff, v1  }
0x62: {  	v52 =	vand.u32 $0xFFFFFF80, v4;
	v4 =	vand.u32 $0x7F, v4;
	v8 =	vor.u32 v8, v9;
	v53 =	vld [tilespmem:s26+$0x90]  }
0x63: {  	v10 =	vadd.s32 s24, v52;
	v5 =	vand.u32 $0x7F, v2;
	v2 =	vand.u32 $0xFFFFFF80, v2;
	v54 =	vld [tilespmem:s26+$0xFFFFFF10]  }
0x64: {  	v4 =	vor.u32 v4, v10;
	v2 =	vadd.s32 s23, v2;
	v55 =	vand.u32 $0xFFFFFF80, v7  }
0x65: {  	v7 =	vand.u32 $0x7F, v7;
	v2 =	vor.u32 v5, v2;
	v9 =	vadd.s32 s29, v55  }
0x66: {  	v56 =	vor.u32 v7, v9;
	v5 =	vand.u32 $0xFFFFFF80, v6;
	v6 =	vand.u32 $0x7F, v6  }
0x67: {  	[tilespmem:v3+s16+$0x0] =	vst.idx.add.f32.msk $0xffff, v1;
	v5 =	vadd.s32 s28, v5;
	v57 =	vand.u32 $0xFFFFFF80, v53;
	v3 =	vand.u32 $0x7F, v53  }
0x68: {  	v5 =	vor.u32 v6, v5;
	v58 =	vand.u32 $0xFFFFFF80, v54;
	v7 =	vadd.s32 s0, v57  }
0x69: {  	[tilespmem:v8+s16+$0x0] =	vst.idx.add.f32.msk $0xffff, v1;
	v59 =	vand.u32 $0x7F, v54;
	v9 =	vadd.s32 s25, v58;
	v3 =	vor.u32 v3, v7  }
0x6a: {  	[tilespmem:v4+s16+$0x0] =	vst.idx.add.f32.msk $0xffff, v1;
	v4 =	vor.u32 v59, v9  }
0x6b: {  	[tilespmem:v2+s16+$0x0] =	vst.idx.add.f32.msk $0xffff, v1  }
0x6c: {  	[tilespmem:v56+s16+$0x0] =	vst.idx.add.f32.msk $0xffff, v1  }
0x6d: {  	[tilespmem:v5+s16+$0x0] =	vst.idx.add.f32.msk $0xffff, v1  }
0x6e: {  	[tilespmem:v3+s16+$0x0] =	vst.idx.add.f32.msk $0xffff, v1  }
0x6f: {  	s31 =	simm.s32 $0x0;
	[tilespmem:v4+s16+$0x0] =	vst.idx.add.f32.msk $0xffff, v1  }
0x70: {  	[hbm4b:s7+s31] =	stream.linear.scatter [tilespmem:s16], [sflag:$0x2], $0x4000, $0x38;
	v63 =	vld [tilespmem:$0x0]  }
0x71: {  	_ =	swait.ge [sflag:s17], $0x4000  }
0x72: {  	[sflag:s17] =	ssyncset.done $0x0  }
0x73: {  	s23 =	simm.s32 $0x0;
	[sflag:s17] =	ssyncadd.s32 $0xFFFFC000  }
0x74: {  	[tilespmem:s23+$0x141B0] =	vst v0  }
0x75: {  	[tilespmem:s23+$0x14030] =	vst v0;
	v3 =	vld [tilespmem:s23+$0x4100]  }
0x76: {  	[tilespmem:s23+$0x14100] =	vst v0;
	v4 =	vld [tilespmem:s23+$0x4000]  }
0x77: {  	[tilespmem:s23+$0x14090] =	vst v0  }
0x78: {  	[tilespmem:s23+$0x14080] =	vst v0  }
0x79: {  	[tilespmem:s23+$0x14110] =	vst v0  }
0x7a: {  	s24 =	simm.s32 $0x4100;
	v5 =	vld [tilespmem:s23+$0x4180];
	[tilespmem:s23+$0x14120] =	vst v0;
	v60 =	vand.u32 $0xFFFFFF80, v3  }
0x7b: {  	s25 =	simm.s32 $0x4000;
	[tilespmem:s23+$0x14130] =	vst v0;
	v61 =	vand.u32 $0xFFFFFF80, v4;
	v3 =	vand.u32 $0x7F, v3;
	v6 =	vadd.s32 s24, v60  }
0x7c: {  	v2 =	vld [tilespmem:s23+$0x4080];
	[tilespmem:s23+$0x14000] =	vst v0;
	v4 =	vand.u32 $0x7F, v4;
	v7 =	vadd.s32 s25, v61;
	v3 =	vor.u32 v3, v6  }
0x7d: {  	[tilespmem:s23+$0x141A0] =	vst v0;
	v4 =	vor.u32 v4, v7  }
0x7e: {  	[tilespmem:s23+$0x140A0] =	vst v0  }
0x7f: {  	s26 =	simm.s32 $0x4180;
	[tilespmem:s23+$0x14010] =	vst v0;
	v62 =	vand.u32 $0xFFFFFF80, v5  }
0x80: {  	[tilespmem:s23+$0x14020] =	vst v0;
	v5 =	vand.u32 $0x7F, v5;
	v6 =	vadd.s32 s26, v62  }
0x81: {  	s28 =	simm.s32 $0x4080;
	v5 =	vor.u32 v5, v6;
	[tilespmem:v3+s16+$0x0] =	vst.idx.add.f32.msk $0xffff, v1;
	v3 =	vand.u32 $0xFFFFFF80, v2  }
0x82: {  	[tilespmem:v4+s16+$0x0] =	vst.idx.add.f32.msk $0xffff, v1;
	v4 =	vand.u32 $0x7F, v2;
	v3 =	vadd.s32 s28, v3  }
0x83: {  	[tilespmem:s23+$0x140B0] =	vst v0;
	v3 =	vor.u32 v4, v3  }
0x84: {  	[tilespmem:s23+$0x14180] =	vst v0  }
0x85: {  	[tilespmem:s23+$0x14190] =	vst v0;
	v2 =	vld [tilespmem:s23+$0x4010]  }
0x86: {  	s30 =	simm.s32 $0x800;
	s29 =	simm.s32 $0x84;
	[tilespmem:v5+s16+$0x0] =	vst.idx.add.f32.msk $0xffff, v1  }
.LBB2_4:
0x87: {  	s0 =	sshra.s32 s30, $0x2  }
0x88: {  	p0 =	slt.u32 s29, $0xFC;
	[tilespmem:v3+s16+$0x0] =	vst.idx.add.f32.msk $0xffff, v1;
	s31 =	smov.u32 s29;
	s29 =	sadd.s32 $0x4, s29  }
0x89: {  	[tilespmem:s0+$0x141B0] =	vst v0;
	v3 =	vld [tilespmem:s23+$0x4090]  }
0x8a: {  	[tilespmem:s0+$0x14030] =	vst v0;
	v4 =	vld [tilespmem:s0+$0x4080]  }
0x8b: {  	v5 =	vld [tilespmem:s0+$0x4000];
	[tilespmem:s0+$0x14090] =	vst v0  }
0x8c: {  	[tilespmem:s0+$0x14080] =	vst v0;
	v6 =	vld [tilespmem:s0+$0x4180]  }
0x8d: {  	[tilespmem:s0+$0x14100] =	vst v0;
	v7 =	vld [tilespmem:s0+$0x4100]  }
0x8e: {  	s31 =	sshll.u32 s31, $0x7;
	[tilespmem:s0+$0x14110] =	vst v0;
	v8 =	vand.u32 $0xFFFFFF80, v3;
	v9 =	vld [tilespmem:s23+$0x4190]  }
0x8f: {  	s1 =	sadd.s32 $0x180, s31;
	v3 =	vand.u32 $0x7F, v3;
	v10 =	vand.u32 $0xFFFFFF80, v4;
	[tilespmem:s0+$0x14120] =	vst v0;
	v8 =	vadd.s32 s28, v8;
	s28 =	sadd.s32 $0x80, s31;
	v11 =	vld [tilespmem:s23+$0x4110];
	s23 =	smov.u32 s0  }
0x90: {  	v4 =	vand.u32 $0x7F, v4;
	v10 =	vadd.s32 s28, v10;
	[tilespmem:s23+$0x14130] =	vst v0;
	v8 =	vor.u32 v3, v8  }
0x91: {  	[tilespmem:s23+$0x14000] =	vst v0;
	v3 =	vor.u32 v4, v10;
	v4 =	vand.u32 $0xFFFFFF80, v6;
	v6 =	vand.u32 $0x7F, v6  }
0x92: {  	s0 =	sadd.s32 $0x100, s31;
	v10 =	vand.u32 $0xFFFFFF80, v5;
	v12 =	vand.u32 $0xFFFFFF80, v7;
	v7 =	vand.u32 $0x7F, v7;
	[tilespmem:s23+$0x141A0] =	vst v0  }
0x93: {  	v10 =	vadd.s32 s31, v10;
	v4 =	vadd.s32 s1, v4;
	[tilespmem:s23+$0x140A0] =	vst v0;
	v12 =	vadd.s32 s0, v12  }
0x94: {  	v5 =	vand.u32 $0x7F, v5;
	v4 =	vor.u32 v6, v4;
	[tilespmem:s23+$0x140B0] =	vst v0;
	v7 =	vor.u32 v7, v12  }
0x95: {  	v5 =	vor.u32 v5, v10;
	v6 =	vand.u32 $0xFFFFFF80, v2;
	[tilespmem:v8+s16+$0x0] =	vst.idx.add.f32.msk $0xffff, v1;
	v8 =	vand.u32 $0xFFFFFF80, v9  }
0x96: {  	v2 =	vand.u32 $0x7F, v2;
	v6 =	vadd.s32 s25, v6;
	s25 =	smov.u32 s31;
	[tilespmem:s23+$0x14010] =	vst v0;
	v8 =	vadd.s32 s26, v8;
	s26 =	smov.u32 s1  }
0x97: {  	v6 =	vor.u32 v2, v6;
	v2 =	vand.u32 $0xFFFFFF80, v11;
	[tilespmem:s23+$0x14020] =	vst v0  }
0x98: {  	v10 =	vand.u32 $0x7F, v11;
	v2 =	vadd.s32 s24, v2;
	s24 =	smov.u32 s0;
	[tilespmem:s23+$0x14180] =	vst v0  }
0x99: {  	[tilespmem:v7+s16+$0x0] =	vst.idx.add.f32.msk $0xffff, v1;
	v7 =	vor.u32 v10, v2;
	v2 =	vand.u32 $0x7F, v9  }
0x9a: {  	[tilespmem:v5+s16+$0x0] =	vst.idx.add.f32.msk $0xffff, v1;
	v5 =	vor.u32 v2, v8  }
.Ltmp1:
0x9b: {  	v2 =	vld [tilespmem:s23+$0x4010];
	[tilespmem:s23+$0x14190] =	vst v0;
	(pc) =	sbr.rel @p0 .LBB2_4-.Ltmp1, $4  }
0x9c: {  	[tilespmem:v6+s16+$0x0] =	vst.idx.add.f32.msk $0xffff, v1  }
0x9d: {  	[tilespmem:v4+s16+$0x0] =	vst.idx.add.f32.msk $0xffff, v1  }
0x9e: {  	[tilespmem:v7+s16+$0x0] =	vst.idx.add.f32.msk $0xffff, v1  }
0x9f: {  	s30 =	sadd.s32 $0x800, s30;
	[tilespmem:v5+s16+$0x0] =	vst.idx.add.f32.msk $0xffff, v1  }
0xa0: {  	_ =	sdelay $0x1  }
0xa1: {  	v4 =	vld [tilespmem:s23+$0x4190]  }
0xa2: {  	v5 =	vld [tilespmem:s23+$0x4110]  }
0xa3: {  	[tilespmem:v3+s16+$0x0] =	vst.idx.add.f32.msk $0xffff, v1  }
0xa4: {  	v3 =	vld [tilespmem:s23+$0x4090];
	_ =	sdelay $0x2  }
0xa5: {  	v58 =	vand.u32 $0xFFFFFF80, v2;
	v7 =	vand.u32 $0xFFFFFF80, v4;
	v8 =	vand.u32 $0xFFFFFF80, v5  }
0xa6: {  	v5 =	vand.u32 $0x7F, v5;
	v4 =	vand.u32 $0x7F, v4;
	v59 =	vadd.s32 s24, v8  }
0xa7: {  	v6 =	vand.u32 $0xFFFFFF80, v3;
	v7 =	vadd.s32 s26, v7;
	v5 =	vor.u32 v5, v59  }
0xa8: {  	v3 =	vand.u32 $0x7F, v3;
	v6 =	vadd.s32 s28, v6;
	v4 =	vor.u32 v4, v7  }
0xa9: {  	v2 =	vand.u32 $0x7F, v2;
	v3 =	vor.u32 v3, v6;
	v6 =	vadd.s32 s25, v58  }
0xaa: {  	v2 =	vor.u32 v2, v6;
	_ =	sdelay $0x1  }
0xab: {  	[tilespmem:v5+s16+$0x0] =	vst.idx.add.f32.msk $0xffff, v1  }
0xac: {  	[tilespmem:v4+s16+$0x0] =	vst.idx.add.f32.msk $0xffff, v1  }
0xad: {  	[tilespmem:v3+s16+$0x0] =	vst.idx.add.f32.msk $0xffff, v1  }
0xae: {  	s0 =	simm.s32 $0x0;
	[tilespmem:v2+s16+$0x0] =	vst.idx.add.f32.msk $0xffff, v1  }
0xaf: {  	[hbm4b:s8+s0] =	stream.linear.scatter [tilespmem:s18], [sflag:$0x2], $0x4000, $0x38;
	v63 =	vld [tilespmem:$0x0]  }
0xb0: {  	_ =	swait.ge [sflag:s17], $0x4000  }
0xb1: {  	[sflag:s17] =	ssyncset.done $0x0  }
0xb2: {  	s23 =	simm.s32 $0x0;
	[sflag:s17] =	ssyncadd.s32 $0xFFFFC000  }
0xb3: {  	[tilespmem:s23+$0x181B0] =	vst v0  }
0xb4: {  	[tilespmem:s23+$0x18030] =	vst v0;
	v3 =	vld [tilespmem:s23+$0x8100]  }
0xb5: {  	[tilespmem:s23+$0x18100] =	vst v0;
	v4 =	vld [tilespmem:s23+$0x8000]  }
0xb6: {  	[tilespmem:s23+$0x18090] =	vst v0  }
0xb7: {  	[tilespmem:s23+$0x18080] =	vst v0  }
0xb8: {  	[tilespmem:s23+$0x18110] =	vst v0  }
0xb9: {  	s24 =	simm.s32 $0x8100;
	v5 =	vld [tilespmem:s23+$0x8180];
	[tilespmem:s23+$0x18120] =	vst v0;
	v60 =	vand.u32 $0xFFFFFF80, v3  }
0xba: {  	s25 =	simm.s32 $0x8000;
	[tilespmem:s23+$0x18130] =	vst v0;
	v61 =	vand.u32 $0xFFFFFF80, v4;
	v3 =	vand.u32 $0x7F, v3;
	v6 =	vadd.s32 s24, v60  }
0xbb: {  	v2 =	vld [tilespmem:s23+$0x8080];
	[tilespmem:s23+$0x18000] =	vst v0;
	v4 =	vand.u32 $0x7F, v4;
	v7 =	vadd.s32 s25, v61;
	v3 =	vor.u32 v3, v6  }
0xbc: {  	[tilespmem:s23+$0x181A0] =	vst v0;
	v4 =	vor.u32 v4, v7  }
0xbd: {  	[tilespmem:s23+$0x180A0] =	vst v0  }
0xbe: {  	s26 =	simm.s32 $0x8180;
	[tilespmem:s23+$0x18010] =	vst v0;
	v62 =	vand.u32 $0xFFFFFF80, v5  }
0xbf: {  	[tilespmem:s23+$0x18020] =	vst v0;
	v5 =	vand.u32 $0x7F, v5;
	v6 =	vadd.s32 s26, v62  }
0xc0: {  	s28 =	simm.s32 $0x8080;
	v5 =	vor.u32 v5, v6;
	[tilespmem:v3+s16+$0x0] =	vst.idx.add.f32.msk $0xffff, v1;
	v3 =	vand.u32 $0xFFFFFF80, v2  }
0xc1: {  	[tilespmem:v4+s16+$0x0] =	vst.idx.add.f32.msk $0xffff, v1;
	v4 =	vand.u32 $0x7F, v2;
	v3 =	vadd.s32 s28, v3  }
0xc2: {  	[tilespmem:s23+$0x180B0] =	vst v0;
	v3 =	vor.u32 v4, v3  }
0xc3: {  	[tilespmem:s23+$0x18180] =	vst v0  }
0xc4: {  	[tilespmem:s23+$0x18190] =	vst v0;
	v2 =	vld [tilespmem:s23+$0x8010]  }
0xc5: {  	s29 =	simm.s32 $0x104;
	s30 =	simm.s32 $0x800;
	[tilespmem:v5+s16+$0x0] =	vst.idx.add.f32.msk $0xffff, v1  }
.LBB2_6:
0xc6: {  	s0 =	sshra.s32 s30, $0x2  }
0xc7: {  	p0 =	slt.u32 s29, $0x17C;
	[tilespmem:v3+s16+$0x0] =	vst.idx.add.f32.msk $0xffff, v1;
	s1 =	smov.u32 s29;
	s29 =	sadd.s32 $0x4, s29  }
0xc8: {  	[tilespmem:s0+$0x181B0] =	vst v0;
	v3 =	vld [tilespmem:s23+$0x8090]  }
0xc9: {  	[tilespmem:s0+$0x18030] =	vst v0;
	v4 =	vld [tilespmem:s0+$0x8080]  }
0xca: {  	v5 =	vld [tilespmem:s0+$0x8000];
	[tilespmem:s0+$0x18090] =	vst v0  }
0xcb: {  	[tilespmem:s0+$0x18080] =	vst v0;
	v6 =	vld [tilespmem:s0+$0x8180]  }
0xcc: {  	[tilespmem:s0+$0x18100] =	vst v0;
	v7 =	vld [tilespmem:s0+$0x8100]  }
0xcd: {  	s1 =	sshll.u32 s1, $0x7;
	[tilespmem:s0+$0x18110] =	vst v0;
	v8 =	vand.u32 $0xFFFFFF80, v3;
	v9 =	vld [tilespmem:s23+$0x8190]  }
0xce: {  	s31 =	sadd.s32 $0x180, s1;
	v3 =	vand.u32 $0x7F, v3;
	v10 =	vand.u32 $0xFFFFFF80, v4;
	[tilespmem:s0+$0x18120] =	vst v0;
	v8 =	vadd.s32 s28, v8;
	s28 =	sadd.s32 $0x80, s1;
	v11 =	vld [tilespmem:s23+$0x8110];
	s23 =	smov.u32 s0  }
0xcf: {  	v4 =	vand.u32 $0x7F, v4;
	v10 =	vadd.s32 s28, v10;
	[tilespmem:s23+$0x18130] =	vst v0;
	v8 =	vor.u32 v3, v8  }
0xd0: {  	[tilespmem:s23+$0x18000] =	vst v0;
	v3 =	vor.u32 v4, v10;
	v4 =	vand.u32 $0xFFFFFF80, v6;
	v6 =	vand.u32 $0x7F, v6  }
0xd1: {  	s0 =	sadd.s32 $0x100, s1;
	v10 =	vand.u32 $0xFFFFFF80, v5;
	v12 =	vand.u32 $0xFFFFFF80, v7;
	v7 =	vand.u32 $0x7F, v7;
	[tilespmem:s23+$0x181A0] =	vst v0  }
0xd2: {  	v10 =	vadd.s32 s1, v10;
	v4 =	vadd.s32 s31, v4;
	[tilespmem:s23+$0x180A0] =	vst v0;
	v12 =	vadd.s32 s0, v12  }
0xd3: {  	v5 =	vand.u32 $0x7F, v5;
	v4 =	vor.u32 v6, v4;
	[tilespmem:s23+$0x180B0] =	vst v0;
	v7 =	vor.u32 v7, v12  }
0xd4: {  	v5 =	vor.u32 v5, v10;
	v6 =	vand.u32 $0xFFFFFF80, v2;
	[tilespmem:v8+s16+$0x0] =	vst.idx.add.f32.msk $0xffff, v1;
	v8 =	vand.u32 $0xFFFFFF80, v9  }
0xd5: {  	v2 =	vand.u32 $0x7F, v2;
	v6 =	vadd.s32 s25, v6;
	s25 =	smov.u32 s1;
	[tilespmem:s23+$0x18010] =	vst v0;
	v8 =	vadd.s32 s26, v8;
	s26 =	smov.u32 s31  }
0xd6: {  	v6 =	vor.u32 v2, v6;
	v2 =	vand.u32 $0xFFFFFF80, v11;
	[tilespmem:s23+$0x18020] =	vst v0  }
0xd7: {  	v10 =	vand.u32 $0x7F, v11;
	v2 =	vadd.s32 s24, v2;
	s24 =	smov.u32 s0;
	[tilespmem:s23+$0x18180] =	vst v0  }
0xd8: {  	[tilespmem:v7+s16+$0x0] =	vst.idx.add.f32.msk $0xffff, v1;
	v7 =	vor.u32 v10, v2;
	v2 =	vand.u32 $0x7F, v9  }
0xd9: {  	[tilespmem:v5+s16+$0x0] =	vst.idx.add.f32.msk $0xffff, v1;
	v5 =	vor.u32 v2, v8  }
.Ltmp2:
0xda: {  	v2 =	vld [tilespmem:s23+$0x8010];
	[tilespmem:s23+$0x18190] =	vst v0;
	(pc) =	sbr.rel @p0 .LBB2_6-.Ltmp2, $4  }
0xdb: {  	[tilespmem:v6+s16+$0x0] =	vst.idx.add.f32.msk $0xffff, v1  }
0xdc: {  	[tilespmem:v4+s16+$0x0] =	vst.idx.add.f32.msk $0xffff, v1  }
0xdd: {  	[tilespmem:v7+s16+$0x0] =	vst.idx.add.f32.msk $0xffff, v1  }
0xde: {  	s30 =	sadd.s32 $0x800, s30;
	[tilespmem:v5+s16+$0x0] =	vst.idx.add.f32.msk $0xffff, v1  }
0xdf: {  	_ =	sdelay $0x1  }
0xe0: {  	v4 =	vld [tilespmem:s23+$0x8190]  }
0xe1: {  	v5 =	vld [tilespmem:s23+$0x8110]  }
0xe2: {  	[tilespmem:v3+s16+$0x0] =	vst.idx.add.f32.msk $0xffff, v1  }
0xe3: {  	v3 =	vld [tilespmem:s23+$0x8090];
	_ =	sdelay $0x2  }
0xe4: {  	v58 =	vand.u32 $0xFFFFFF80, v2;
	v7 =	vand.u32 $0xFFFFFF80, v4;
	v8 =	vand.u32 $0xFFFFFF80, v5  }
0xe5: {  	v5 =	vand.u32 $0x7F, v5;
	v4 =	vand.u32 $0x7F, v4;
	v59 =	vadd.s32 s24, v8  }
0xe6: {  	v6 =	vand.u32 $0xFFFFFF80, v3;
	v7 =	vadd.s32 s26, v7;
	v5 =	vor.u32 v5, v59  }
0xe7: {  	v3 =	vand.u32 $0x7F, v3;
	v6 =	vadd.s32 s28, v6;
	v4 =	vor.u32 v4, v7  }
0xe8: {  	v2 =	vand.u32 $0x7F, v2;
	v3 =	vor.u32 v3, v6;
	v6 =	vadd.s32 s25, v58  }
0xe9: {  	v2 =	vor.u32 v2, v6;
	_ =	sdelay $0x1  }
0xea: {  	[tilespmem:v5+s16+$0x0] =	vst.idx.add.f32.msk $0xffff, v1  }
0xeb: {  	[tilespmem:v4+s16+$0x0] =	vst.idx.add.f32.msk $0xffff, v1  }
0xec: {  	[tilespmem:v3+s16+$0x0] =	vst.idx.add.f32.msk $0xffff, v1  }
0xed: {  	s0 =	simm.s32 $0x0;
	[tilespmem:v2+s16+$0x0] =	vst.idx.add.f32.msk $0xffff, v1  }
0xee: {  	[hbm4b:s9+s0] =	stream.linear.scatter [tilespmem:s19], [sflag:$0x2], $0x4000, $0x38;
	v63 =	vld [tilespmem:$0x0]  }
0xef: {  	_ =	swait.ge [sflag:s17], $0x4000  }
0xf0: {  	[sflag:s17] =	ssyncset.done $0x0  }
0xf1: {  	s23 =	simm.s32 $0x0;
	[sflag:s17] =	ssyncadd.s32 $0xFFFFC000  }
0xf2: {  	[tilespmem:s23+$0x1C1B0] =	vst v0  }
0xf3: {  	[tilespmem:s23+$0x1C030] =	vst v0;
	v3 =	vld [tilespmem:s23+$0xC100]  }
0xf4: {  	[tilespmem:s23+$0x1C100] =	vst v0;
	v4 =	vld [tilespmem:s23+$0xC000]  }
0xf5: {  	[tilespmem:s23+$0x1C090] =	vst v0  }
0xf6: {  	[tilespmem:s23+$0x1C080] =	vst v0  }
0xf7: {  	[tilespmem:s23+$0x1C110] =	vst v0  }
0xf8: {  	s24 =	simm.s32 $0xC100;
	v5 =	vld [tilespmem:s23+$0xC180];
	[tilespmem:s23+$0x1C120] =	vst v0;
	v60 =	vand.u32 $0xFFFFFF80, v3  }
0xf9: {  	s25 =	simm.s32 $0xC000;
	[tilespmem:s23+$0x1C130] =	vst v0;
	v61 =	vand.u32 $0xFFFFFF80, v4;
	v3 =	vand.u32 $0x7F, v3;
	v6 =	vadd.s32 s24, v60  }
0xfa: {  	v2 =	vld [tilespmem:s23+$0xC080];
	[tilespmem:s23+$0x1C000] =	vst v0;
	v4 =	vand.u32 $0x7F, v4;
	v7 =	vadd.s32 s25, v61;
	v3 =	vor.u32 v3, v6  }
0xfb: {  	[tilespmem:s23+$0x1C1A0] =	vst v0;
	v4 =	vor.u32 v4, v7  }
0xfc: {  	[tilespmem:s23+$0x1C0A0] =	vst v0  }
0xfd: {  	s26 =	simm.s32 $0xC180;
	[tilespmem:s23+$0x1C010] =	vst v0;
	v62 =	vand.u32 $0xFFFFFF80, v5  }
0xfe: {  	[tilespmem:s23+$0x1C020] =	vst v0;
	v5 =	vand.u32 $0x7F, v5;
	v6 =	vadd.s32 s26, v62  }
0xff: {  	s28 =	simm.s32 $0xC080;
	v5 =	vor.u32 v5, v6;
	[tilespmem:v3+s16+$0x0] =	vst.idx.add.f32.msk $0xffff, v1;
	v3 =	vand.u32 $0xFFFFFF80, v2  }
0x100: {  	[tilespmem:v4+s16+$0x0] =	vst.idx.add.f32.msk $0xffff, v1;
	v4 =	vand.u32 $0x7F, v2;
	v3 =	vadd.s32 s28, v3  }
0x101: {  	[tilespmem:s23+$0x1C0B0] =	vst v0;
	v3 =	vor.u32 v4, v3  }
0x102: {  	[tilespmem:s23+$0x1C180] =	vst v0  }
0x103: {  	[tilespmem:s23+$0x1C190] =	vst v0;
	v2 =	vld [tilespmem:s23+$0xC010]  }
0x104: {  	s29 =	simm.s32 $0x184;
	s30 =	simm.s32 $0x800;
	[tilespmem:v5+s16+$0x0] =	vst.idx.add.f32.msk $0xffff, v1  }
.LBB2_8:
0x105: {  	s0 =	sshra.s32 s30, $0x2  }
0x106: {  	p0 =	slt.u32 s29, $0x1FC;
	[tilespmem:v3+s16+$0x0] =	vst.idx.add.f32.msk $0xffff, v1;
	s1 =	smov.u32 s29;
	s29 =	sadd.s32 $0x4, s29  }
0x107: {  	[tilespmem:s0+$0x1C1B0] =	vst v0;
	v3 =	vld [tilespmem:s23+$0xC090]  }
0x108: {  	[tilespmem:s0+$0x1C030] =	vst v0;
	v4 =	vld [tilespmem:s0+$0xC080]  }
0x109: {  	v5 =	vld [tilespmem:s0+$0xC000];
	[tilespmem:s0+$0x1C090] =	vst v0  }
0x10a: {  	[tilespmem:s0+$0x1C080] =	vst v0;
	v6 =	vld [tilespmem:s0+$0xC180]  }
0x10b: {  	[tilespmem:s0+$0x1C100] =	vst v0;
	v7 =	vld [tilespmem:s0+$0xC100]  }
0x10c: {  	s1 =	sshll.u32 s1, $0x7;
	[tilespmem:s0+$0x1C110] =	vst v0;
	v8 =	vand.u32 $0xFFFFFF80, v3;
	v9 =	vld [tilespmem:s23+$0xC190]  }
0x10d: {  	s31 =	sadd.s32 $0x180, s1;
	v3 =	vand.u32 $0x7F, v3;
	v10 =	vand.u32 $0xFFFFFF80, v4;
	[tilespmem:s0+$0x1C120] =	vst v0;
	v8 =	vadd.s32 s28, v8;
	s28 =	sadd.s32 $0x80, s1;
	v11 =	vld [tilespmem:s23+$0xC110];
	s23 =	smov.u32 s0  }
0x10e: {  	v4 =	vand.u32 $0x7F, v4;
	v10 =	vadd.s32 s28, v10;
	[tilespmem:s23+$0x1C130] =	vst v0;
	v8 =	vor.u32 v3, v8  }
0x10f: {  	[tilespmem:s23+$0x1C000] =	vst v0;
	v3 =	vor.u32 v4, v10;
	v4 =	vand.u32 $0xFFFFFF80, v6;
	v6 =	vand.u32 $0x7F, v6  }
0x110: {  	s0 =	sadd.s32 $0x100, s1;
	v10 =	vand.u32 $0xFFFFFF80, v5;
	v12 =	vand.u32 $0xFFFFFF80, v7;
	v7 =	vand.u32 $0x7F, v7;
	[tilespmem:s23+$0x1C1A0] =	vst v0  }
0x111: {  	v10 =	vadd.s32 s1, v10;
	v4 =	vadd.s32 s31, v4;
	[tilespmem:s23+$0x1C0A0] =	vst v0;
	v12 =	vadd.s32 s0, v12  }
0x112: {  	v5 =	vand.u32 $0x7F, v5;
	v4 =	vor.u32 v6, v4;
	[tilespmem:s23+$0x1C0B0] =	vst v0;
	v7 =	vor.u32 v7, v12  }
0x113: {  	v5 =	vor.u32 v5, v10;
	v6 =	vand.u32 $0xFFFFFF80, v2;
	[tilespmem:v8+s16+$0x0] =	vst.idx.add.f32.msk $0xffff, v1;
	v8 =	vand.u32 $0xFFFFFF80, v9  }
0x114: {  	v2 =	vand.u32 $0x7F, v2;
	v6 =	vadd.s32 s25, v6;
	s25 =	smov.u32 s1;
	[tilespmem:s23+$0x1C010] =	vst v0;
	v8 =	vadd.s32 s26, v8;
	s26 =	smov.u32 s31  }
0x115: {  	v6 =	vor.u32 v2, v6;
	v2 =	vand.u32 $0xFFFFFF80, v11;
	[tilespmem:s23+$0x1C020] =	vst v0  }
0x116: {  	v10 =	vand.u32 $0x7F, v11;
	v2 =	vadd.s32 s24, v2;
	s24 =	smov.u32 s0;
	[tilespmem:s23+$0x1C180] =	vst v0  }
0x117: {  	[tilespmem:v7+s16+$0x0] =	vst.idx.add.f32.msk $0xffff, v1;
	v7 =	vor.u32 v10, v2;
	v2 =	vand.u32 $0x7F, v9  }
0x118: {  	[tilespmem:v5+s16+$0x0] =	vst.idx.add.f32.msk $0xffff, v1;
	v5 =	vor.u32 v2, v8  }
.Ltmp3:
0x119: {  	v2 =	vld [tilespmem:s23+$0xC010];
	[tilespmem:s23+$0x1C190] =	vst v0;
	(pc) =	sbr.rel @p0 .LBB2_8-.Ltmp3, $4  }
0x11a: {  	[tilespmem:v6+s16+$0x0] =	vst.idx.add.f32.msk $0xffff, v1  }
0x11b: {  	[tilespmem:v4+s16+$0x0] =	vst.idx.add.f32.msk $0xffff, v1  }
0x11c: {  	[tilespmem:v7+s16+$0x0] =	vst.idx.add.f32.msk $0xffff, v1  }
0x11d: {  	s30 =	sadd.s32 $0x800, s30;
	[tilespmem:v5+s16+$0x0] =	vst.idx.add.f32.msk $0xffff, v1  }
0x11e: {  	_ =	sdelay $0x3  }
0x11f: {  	[tilespmem:v3+s16+$0x0] =	vst.idx.add.f32.msk $0xffff, v1  }
0x120: {  	v4 =	vld [tilespmem:s23+$0xC110]  }
0x121: {  	v5 =	vld [tilespmem:s23+$0xC190]  }
0x122: {  	v3 =	vld [tilespmem:s23+$0xC090];
	_ =	sdelay $0x1  }
0x123: {  	v7 =	vand.u32 $0xFFFFFF80, v2  }
0x124: {  	v2 =	vand.u32 $0x7F, v2;
	v7 =	vadd.s32 s25, v7  }
0x125: {  	v2 =	vor.u32 v2, v7;
	v60 =	vand.u32 $0xFFFFFF80, v4;
	v61 =	vand.u32 $0xFFFFFF80, v5  }
0x126: {  	v5 =	vand.u32 $0x7F, v5;
	v6 =	vand.u32 $0xFFFFFF80, v3;
	v62 =	vadd.s32 s26, v61  }
0x127: {  	v3 =	vand.u32 $0x7F, v3;
	v6 =	vadd.s32 s28, v6;
	v5 =	vor.u32 v5, v62  }
0x128: {  	v4 =	vand.u32 $0x7F, v4;
	v3 =	vor.u32 v3, v6;
	v6 =	vadd.s32 s24, v60  }
0x129: {  	v4 =	vor.u32 v4, v6;
	_ =	sdelay $0x1  }
0x12a: {  	[tilespmem:v2+s16+$0x0] =	vst.idx.add.f32.msk $0xffff, v1  }
0x12b: {  	[tilespmem:v5+s16+$0x0] =	vst.idx.add.f32.msk $0xffff, v1  }
0x12c: {  	[tilespmem:v3+s16+$0x0] =	vst.idx.add.f32.msk $0xffff, v1  }
0x12d: {  	[tilespmem:v4+s16+$0x0] =	vst.idx.add.f32.msk $0xffff, v1  }
0x12e: {  	[hbm4b:s10+s2] =	stream.linear.scatter [tilespmem:s20], [sflag:$0x2], $0x4000, $0x38;
	v63 =	vld [tilespmem:$0x0]  }
0x12f: {  	_ =	swait.ge [sflag:s21], $0x4000  }
0x130: {  	[sflag:s21] =	ssyncset.done $0x0  }
0x131: {  	[sflag:s21] =	ssyncadd.s32 $0xFFFFC000  }
0x132: {  	_ =	swait.ge [sflag:s21], $0x4000  }
0x133: {  	[sflag:s21] =	ssyncset.done $0x0  }
0x134: {  	s22 =	sadd.s32 $0x1, s22;
	[sflag:s21] =	ssyncadd.s32 $0xFFFFC000  }
0x135: {  	p0 =	sne.s32 s22, s11;
	_ =	swait.ge [sflag:s21], $0x4000  }
.Ltmp4:
0x136: {  	[sflag:s21] =	ssyncset.done $0x0;
	(pc) =	sbr.rel @p0 .LBB2_1-.Ltmp4, $4  }
0x137: {  	[sflag:s21] =	ssyncadd.s32 $0xFFFFC000  }
0x138: {  	_ =	swait.ge [sflag:s21], $0x4000  }
0x139: {  	[sflag:s21] =	ssyncset.done $0x0  }
0x13a: {  	[sflag:s21] =	ssyncadd.s32 $0xFFFFC000  }
0x13b: {  	_ =	sfence.sel $0x180000  }
0x13c: {  	[bflag:$0x0] =	sbarrier.arrive $0xFFFF  }
0x13d: {  	_ =	strace $0x90000047  }
0x13e: {  	s0 =	stileid.u32;
	[bflag:$0x2] =	sbarrier.arrive $0xFFFF  }
0x13f: {  	p0 =	sne.s32 s0, $0x0;
	s0 =	rddreg [dreg:$0x2]  }
0x140: {  	s0 =	sadd.s32 @!p0 $0x100000, s0  }
0x141: {  	[sflag:s0] =	ssyncadd.tile.s32 @!p0 $0x1;
	_ =	shalt  }
.Lfunc_end2:
_tile_overlayer_lowered:
.L_overlay_start_2:
0x142: {  	(tag) =	ssettag $0x2  }
0x143: {  	s0 =	rddreg [dreg:$0x0];
	s2 =	stileid.u32  }
0x144: {  	s1 =	rddreg [dreg:$0x1];
	p0 =	sne.s32 s2, $0x0  }
0x145: {  	s3 =	rddreg [dreg:$0x2];
	[bflag:$0x3] =	sbarrier.arrive $0xFFFF;
	s2 =	simm.s32 @!p0 $0x1C03  }
0x146: {  	[timem:s3], [sflag:s2] =	dma.local @!p0 [hbm:s0], s1  }
0x147: {  	s0 =	simm.s32 @!p0 $0x3  }
0x148: {  	_ =	swait.ge @!p0 [sflag:s0], s1  }
0x149: {  	s1 =	ssub.s32 @!p0 $0x0, s1;
	[sflag:s0] =	ssyncset.done @!p0 $0x0  }
0x14a: {  	[sflag:s0] =	ssyncadd.s32 @!p0 s1  }
0x14b: {  	[bflag:$0x3] =	sbarrier.arrive $0xFFFF  }
0x14c: {  	_ =	shalt  }

</sc_bundles>
